<compile_context>
chip_gen: v7x
topology: tpu7x:2x2x1
jax: 0.10.2.dev20260603
libtpu: 0.0.44.dev20260713+nightly
codegen_flags: <defaults>
</compile_context>

<pallas_src>
import jax
import jax.numpy as jnp
from jax import lax
from jax.experimental import pallas as pl
from jax.experimental.pallas import tpu as pltpu
from jax.experimental.pallas import tpu_sc as plsc

BATCH = 4096
HIST = 50
EMB_DIM = 64
PAD_DIM = 128

NC = 2
NS = 16
NW = NC * NS

BW = BATCH // NW
HC = 1
NCH = HIST // HC
LANES = 16
DBLK = EMB_DIM // LANES
BBLK = BW // LANES


def _body(xt_hbm, table_hbm, out_hbm, idx_v, gbuf, tbuf, sem_g, sem_o):
    wid = lax.axis_index("s") * NC + lax.axis_index("c")
    b0 = wid * BW

    pltpu.sync_copy(xt_hbm.at[:, pl.ds(b0, BW)], idx_v)

    lane = jnp.arange(LANES, dtype=jnp.int32)
    diags = [(lane + k) & (LANES - 1) for k in range(LANES)]

    def gather_copy(g, p, hh):
        return pltpu.make_async_copy(
            table_hbm.at[idx_v.at[g * HC + hh]],
            gbuf.at[p, hh],
            sem_g,
        )

    def gather_start(g, p):
        for hh in range(HC):
            gather_copy(g, p, hh).start()

    def gather_wait(g, p):
        for hh in range(HC):
            gather_copy(g, p, hh).wait()

    def store_copy(g, p):
        return pltpu.make_async_copy(
            tbuf.at[p],
            out_hbm.at[pl.ds(g * HC, HC), :, pl.ds(b0, BW)],
            sem_o,
        )

    def transpose(q, p):
        for hh in range(HC):
            rows = gbuf.at[q, hh]
            tp = tbuf.at[p, hh]

            @plsc.parallel_loop(0, DBLK * BBLK, unroll=2)
            def _(bi):
                d0 = (bi % DBLK) * LANES
                bb = (bi // DBLK) * LANES
                row = bb + lane
                for k in range(LANES):
                    dcol = d0 + diags[k]
                    v = plsc.load_gather(rows, [row, dcol])
                    plsc.store_scatter(tp, [dcol, row], v)

    gather_start(0, 0)
    gather_start(1, 1)

    def chunk(g, carry):
        q = lax.rem(g, 3)
        p = lax.rem(g, 2)

        @pl.when(g + 2 < NCH)
        def _():
            gather_start(g + 2, lax.rem(g + 2, 3))

        gather_wait(g, q)

        @pl.when(g >= 2)
        def _():
            store_copy(g - 2, p).wait()

        transpose(q, p)
        store_copy(g, p).start()
        return carry

    lax.fori_loop(0, NCH, chunk, 0)
    store_copy(NCH - 2, (NCH - 2) % 2).wait()
    store_copy(NCH - 1, (NCH - 1) % 2).wait()


@jax.jit
def _gather(xt, table_p):
    run = pl.kernel(
        _body,
        out_type=jax.ShapeDtypeStruct((HIST, EMB_DIM, BATCH), jnp.float32),
        mesh=plsc.VectorSubcoreMesh(core_axis_name="c", subcore_axis_name="s"),
        compiler_params=pltpu.CompilerParams(
            use_tc_tiling_on_sc=True, needs_layout_passes=False
        ),
        scratch_types=[
            pltpu.VMEM((HIST, BW), jnp.int32),
            pltpu.VMEM((3, HC, BW, PAD_DIM), jnp.float32),
            pltpu.VMEM((2, HC, EMB_DIM, BW), jnp.float32),
            pltpu.SemaphoreType.DMA,
            pltpu.SemaphoreType.DMA,
        ],
    )
    return run(xt, table_p)


def kernel(x, table):
    xt = x.astype(jnp.int32).T
    table_p = jnp.pad(table, ((0, 0), (0, PAD_DIM - EMB_DIM)))
    out_t = _gather(xt, table_p)
    return jnp.transpose(out_t, (2, 0, 1))

# --- scband reference (transcript-rebuilt; emitter-appended) ---
"""Pipeline reference for scband-word-embedding-13168369730203 (READ-ONLY COPY).

The authoritative reference and input builder live on the scoring server;
editing this copy changes nothing except your own understanding.
"""

import jax, jax.numpy as jnp
import numpy as np

NTOKEN = 100000
EMB_DIM = 64
BATCH = 4096
HIST = 50

def setup_inputs(seed: int = 0) -> dict:
    key = jax.random.key(seed)
    k1, k2 = jax.random.split(key)
    x = jax.random.randint(k1, (BATCH, HIST), 0, NTOKEN, dtype=jnp.int64 if jax.config.jax_enable_x64 else jnp.int32)
    table = jax.random.normal(k2, (NTOKEN + 1, EMB_DIM), dtype=jnp.float32) * 0.02
    # padding_idx row (index NTOKEN) is zeros, matching nn.Embedding(padding_idx=ntoken)
    table = table.at[NTOKEN].set(0.0)
    return {"x": x, "table": table}

def reference(x, table):
    # emb = self.emb(x); dropout(p=0.0) is identity in eval/zero-p
    emb = jnp.take(table, x, axis=0)  # [B, L, D]
    batch = emb.shape[0]
    emb = jnp.reshape(emb, (batch, -1, EMB_DIM))
    return emb

if __name__ == "__main__":
    import jax
    _d = setup_inputs()
    print(jax.jit(kernel)(*tuple(_d.values())))

</pallas_src>

<mosaic_0001>
#map = affine_map<(d0, d1) -> (0, 0)>
#map1 = affine_map<(d0, d1) -> (0, 0, 0)>
module attributes {stable_mosaic.version = 14 : i64} {
  func.func @_body(%arg0: i32, %arg1: i32, %arg2: memref<50x4096xi32, #tpu.memory_space<hbm>>, %arg3: memref<100001x128xf32, #tpu.memory_space<hbm>>, %arg4: memref<50x64x4096xf32, #tpu.memory_space<hbm>>, %arg5: memref<50x128xi32, #tpu.memory_space<vmem>>, %arg6: memref<3x1x128x128xf32, #tpu.memory_space<vmem>>, %arg7: memref<2x1x64x128xf32, #tpu.memory_space<vmem>>, %arg8: memref<!tpu.dma_semaphore, #tpu.memory_space<semaphore_mem>>, %arg9: memref<!tpu.dma_semaphore, #tpu.memory_space<semaphore_mem>>) attributes {dimension_semantics = [#tpu.dimension_semantics<core_parallel>, #tpu.dimension_semantics<subcore_parallel>], iteration_bounds = array<i64: 2, 16>, scalar_prefetch = 0 : i64, scratch_operands = 5 : i64, tpu.core_type = #tpu.core_type<sc_vector_subcore>, window_params = [{transform_indices = #map}, {transform_indices = #map}, {transform_indices = #map1}]} {
    %mul3A = arith.constant 2 : i32
    %mul3A_0 = arith.muli %arg1, %mul3A : i32
    %add3A = arith.addi %mul3A_0, %arg0 : i32
    %mul3A_1 = arith.constant 128 : i32
    %mul3A_2 = arith.muli %add3A, %mul3A_1 : i32
    "tpu.region"() ({
      %run_scoped3A = tpu.sem_alloc : memref<!tpu.dma_semaphore, #tpu.memory_space<semaphore_mem>>
      %dma_start3A_161 = arith.constant 0 : i32
      %dma_start3A_162 = tpu.memref_slice %arg2[%dma_start3A_161, %mul3A_2] : memref<50x4096xi32, #tpu.memory_space<hbm>> -> memref<50x128xi32, #tpu.memory_space<hbm>>
      %dma_start3A_163 = arith.constant 0 : i32
      %dma_start3A_164 = tpu.memref_slice %arg2[%dma_start3A_163, %mul3A_2] : memref<50x4096xi32, #tpu.memory_space<hbm>> -> memref<50x128xi32, #tpu.memory_space<hbm>>
      tpu.enqueue_dma source(%dma_start3A_164 : memref<50x128xi32, #tpu.memory_space<hbm>>) target(%arg5 : memref<50x128xi32, #tpu.memory_space<vmem>>) target_semaphore(%run_scoped3A : memref<!tpu.dma_semaphore, #tpu.memory_space<semaphore_mem>>)
      %dma_wait3A_165 = arith.constant 0 : i32
      %dma_wait3A_166 = tpu.memref_slice %arg2[%dma_wait3A_165, %mul3A_2] : memref<50x4096xi32, #tpu.memory_space<hbm>> -> memref<50x128xi32, #tpu.memory_space<hbm>>
      %dma_wait3A_167 = arith.constant 0 : i32
      %dma_wait3A_168 = tpu.memref_slice %arg2[%dma_wait3A_167, %mul3A_2] : memref<50x4096xi32, #tpu.memory_space<hbm>> -> memref<50x128xi32, #tpu.memory_space<hbm>>
      tpu.wait_dma2 semaphore(%run_scoped3A : memref<!tpu.dma_semaphore, #tpu.memory_space<semaphore_mem>>) src(%dma_wait3A_168 : memref<50x128xi32, #tpu.memory_space<hbm>>) dst(%arg5 : memref<50x128xi32, #tpu.memory_space<vmem>>)
      tpu.yield
    }) : () -> ()
    %iota3A = tpu.iota {dimensions = array<i32: 0>} : vector<16xi32>
    %add3A_3 = arith.constant 0 : i32
    %add3A_4 = vector.broadcast %add3A_3 : i32 to vector<16xi32>
    %add3A_5 = arith.addi %iota3A, %add3A_4 : vector<16xi32>
    %and3A = arith.constant 15 : i32
    %and3A_6 = vector.broadcast %and3A : i32 to vector<16xi32>
    %and3A_7 = arith.andi %add3A_5, %and3A_6 : vector<16xi32>
    %add3A_8 = arith.constant 1 : i32
    %add3A_9 = vector.broadcast %add3A_8 : i32 to vector<16xi32>
    %add3A_10 = arith.addi %iota3A, %add3A_9 : vector<16xi32>
    %and3A_11 = arith.constant 15 : i32
    %and3A_12 = vector.broadcast %and3A_11 : i32 to vector<16xi32>
    %and3A_13 = arith.andi %add3A_10, %and3A_12 : vector<16xi32>
    %add3A_14 = arith.constant 2 : i32
    %add3A_15 = vector.broadcast %add3A_14 : i32 to vector<16xi32>
    %add3A_16 = arith.addi %iota3A, %add3A_15 : vector<16xi32>
    %and3A_17 = arith.constant 15 : i32
    %and3A_18 = vector.broadcast %and3A_17 : i32 to vector<16xi32>
    %and3A_19 = arith.andi %add3A_16, %and3A_18 : vector<16xi32>
    %add3A_20 = arith.constant 3 : i32
    %add3A_21 = vector.broadcast %add3A_20 : i32 to vector<16xi32>
    %add3A_22 = arith.addi %iota3A, %add3A_21 : vector<16xi32>
    %and3A_23 = arith.constant 15 : i32
    %and3A_24 = vector.broadcast %and3A_23 : i32 to vector<16xi32>
    %and3A_25 = arith.andi %add3A_22, %and3A_24 : vector<16xi32>
    %add3A_26 = arith.constant 4 : i32
    %add3A_27 = vector.broadcast %add3A_26 : i32 to vector<16xi32>
    %add3A_28 = arith.addi %iota3A, %add3A_27 : vector<16xi32>
    %and3A_29 = arith.constant 15 : i32
    %and3A_30 = vector.broadcast %and3A_29 : i32 to vector<16xi32>
    %and3A_31 = arith.andi %add3A_28, %and3A_30 : vector<16xi32>
    %add3A_32 = arith.constant 5 : i32
    %add3A_33 = vector.broadcast %add3A_32 : i32 to vector<16xi32>
    %add3A_34 = arith.addi %iota3A, %add3A_33 : vector<16xi32>
    %and3A_35 = arith.constant 15 : i32
    %and3A_36 = vector.broadcast %and3A_35 : i32 to vector<16xi32>
    %and3A_37 = arith.andi %add3A_34, %and3A_36 : vector<16xi32>
    %add3A_38 = arith.constant 6 : i32
    %add3A_39 = vector.broadcast %add3A_38 : i32 to vector<16xi32>
    %add3A_40 = arith.addi %iota3A, %add3A_39 : vector<16xi32>
    %and3A_41 = arith.constant 15 : i32
    %and3A_42 = vector.broadcast %and3A_41 : i32 to vector<16xi32>
    %and3A_43 = arith.andi %add3A_40, %and3A_42 : vector<16xi32>
    %add3A_44 = arith.constant 7 : i32
    %add3A_45 = vector.broadcast %add3A_44 : i32 to vector<16xi32>
    %add3A_46 = arith.addi %iota3A, %add3A_45 : vector<16xi32>
    %and3A_47 = arith.constant 15 : i32
    %and3A_48 = vector.broadcast %and3A_47 : i32 to vector<16xi32>
    %and3A_49 = arith.andi %add3A_46, %and3A_48 : vector<16xi32>
    %add3A_50 = arith.constant 8 : i32
    %add3A_51 = vector.broadcast %add3A_50 : i32 to vector<16xi32>
    %add3A_52 = arith.addi %iota3A, %add3A_51 : vector<16xi32>
    %and3A_53 = arith.constant 15 : i32
    %and3A_54 = vector.broadcast %and3A_53 : i32 to vector<16xi32>
    %and3A_55 = arith.andi %add3A_52, %and3A_54 : vector<16xi32>
    %add3A_56 = arith.constant 9 : i32
    %add3A_57 = vector.broadcast %add3A_56 : i32 to vector<16xi32>
    %add3A_58 = arith.addi %iota3A, %add3A_57 : vector<16xi32>
    %and3A_59 = arith.constant 15 : i32
    %and3A_60 = vector.broadcast %and3A_59 : i32 to vector<16xi32>
    %and3A_61 = arith.andi %add3A_58, %and3A_60 : vector<16xi32>
    %add3A_62 = arith.constant 10 : i32
    %add3A_63 = vector.broadcast %add3A_62 : i32 to vector<16xi32>
    %add3A_64 = arith.addi %iota3A, %add3A_63 : vector<16xi32>
    %and3A_65 = arith.constant 15 : i32
    %and3A_66 = vector.broadcast %and3A_65 : i32 to vector<16xi32>
    %and3A_67 = arith.andi %add3A_64, %and3A_66 : vector<16xi32>
    %add3A_68 = arith.constant 11 : i32
    %add3A_69 = vector.broadcast %add3A_68 : i32 to vector<16xi32>
    %add3A_70 = arith.addi %iota3A, %add3A_69 : vector<16xi32>
    %and3A_71 = arith.constant 15 : i32
    %and3A_72 = vector.broadcast %and3A_71 : i32 to vector<16xi32>
    %and3A_73 = arith.andi %add3A_70, %and3A_72 : vector<16xi32>
    %add3A_74 = arith.constant 12 : i32
    %add3A_75 = vector.broadcast %add3A_74 : i32 to vector<16xi32>
    %add3A_76 = arith.addi %iota3A, %add3A_75 : vector<16xi32>
    %and3A_77 = arith.constant 15 : i32
    %and3A_78 = vector.broadcast %and3A_77 : i32 to vector<16xi32>
    %and3A_79 = arith.andi %add3A_76, %and3A_78 : vector<16xi32>
    %add3A_80 = arith.constant 13 : i32
    %add3A_81 = vector.broadcast %add3A_80 : i32 to vector<16xi32>
    %add3A_82 = arith.addi %iota3A, %add3A_81 : vector<16xi32>
    %and3A_83 = arith.constant 15 : i32
    %and3A_84 = vector.broadcast %and3A_83 : i32 to vector<16xi32>
    %and3A_85 = arith.andi %add3A_82, %and3A_84 : vector<16xi32>
    %add3A_86 = arith.constant 14 : i32
    %add3A_87 = vector.broadcast %add3A_86 : i32 to vector<16xi32>
    %add3A_88 = arith.addi %iota3A, %add3A_87 : vector<16xi32>
    %and3A_89 = arith.constant 15 : i32
    %and3A_90 = vector.broadcast %and3A_89 : i32 to vector<16xi32>
    %and3A_91 = arith.andi %add3A_88, %and3A_90 : vector<16xi32>
    %add3A_92 = arith.constant 15 : i32
    %add3A_93 = vector.broadcast %add3A_92 : i32 to vector<16xi32>
    %add3A_94 = arith.addi %iota3A, %add3A_93 : vector<16xi32>
    %and3A_95 = arith.constant 15 : i32
    %and3A_96 = vector.broadcast %and3A_95 : i32 to vector<16xi32>
    %and3A_97 = arith.andi %add3A_94, %and3A_96 : vector<16xi32>
    %dma_start3A = arith.constant 0 : i32
    %dma_start3A_98 = arith.constant 0 : i32
    %dma_start3A_99 = arith.constant 0 : i32
    %dma_start3A_100 = arith.constant 0 : i32
    %dma_start3A_101 = arith.constant 0 : i32
    %dma_start3A_102 = tpu.memref_slice %arg6[%dma_start3A_98, %dma_start3A_99, %dma_start3A_100, %dma_start3A_101] : memref<3x1x128x128xf32, #tpu.memory_space<vmem>> -> memref<1x1x128x128xf32, #tpu.memory_space<vmem>>
    %dma_start3A_103 = tpu.memref_squeeze %dma_start3A_102 : memref<1x1x128x128xf32, #tpu.memory_space<vmem>> -> memref<128x128xf32, #tpu.memory_space<vmem>>
    %dma_start3A_104 = arith.constant 0 : i32
    %dma_start3A_105 = tpu.memref_slice %arg5[%dma_start3A, %dma_start3A_104] : memref<50x128xi32, #tpu.memory_space<vmem>> -> memref<1x128xi32, #tpu.memory_space<vmem>>
    %dma_start3A_106 = tpu.memref_squeeze %dma_start3A_105 : memref<1x128xi32, #tpu.memory_space<vmem>> -> memref<128xi32, #tpu.memory_space<vmem>>
    %dma_start3A_107 = arith.constant 0 : i32
    %dma_start3A_108 = arith.constant 0 : i32
    %dma_start3A_109 = tpu.memref_slice %arg3[%dma_start3A_107, %dma_start3A_108] : memref<100001x128xf32, #tpu.memory_space<hbm>> -> memref<100001x128xf32, #tpu.memory_space<hbm>>
    tpu.enqueue_indirect_dma source(%dma_start3A_109 : memref<100001x128xf32, #tpu.memory_space<hbm>>) target(%dma_start3A_103 : memref<128x128xf32, #tpu.memory_space<vmem>>) offsets(%dma_start3A_106 : memref<128xi32, #tpu.memory_space<vmem>>) semaphore(%arg8 : memref<!tpu.dma_semaphore, #tpu.memory_space<semaphore_mem>>)
    %dma_start3A_110 = arith.constant 1 : i32
    %dma_start3A_111 = arith.constant 1 : i32
    %dma_start3A_112 = arith.constant 0 : i32
    %dma_start3A_113 = arith.constant 0 : i32
    %dma_start3A_114 = arith.constant 0 : i32
    %dma_start3A_115 = tpu.memref_slice %arg6[%dma_start3A_111, %dma_start3A_112, %dma_start3A_113, %dma_start3A_114] : memref<3x1x128x128xf32, #tpu.memory_space<vmem>> -> memref<1x1x128x128xf32, #tpu.memory_space<vmem>>
    %dma_start3A_116 = tpu.memref_squeeze %dma_start3A_115 : memref<1x1x128x128xf32, #tpu.memory_space<vmem>> -> memref<128x128xf32, #tpu.memory_space<vmem>>
    %dma_start3A_117 = arith.constant 0 : i32
    %dma_start3A_118 = tpu.memref_slice %arg5[%dma_start3A_110, %dma_start3A_117] : memref<50x128xi32, #tpu.memory_space<vmem>> -> memref<1x128xi32, #tpu.memory_space<vmem>>
    %dma_start3A_119 = tpu.memref_squeeze %dma_start3A_118 : memref<1x128xi32, #tpu.memory_space<vmem>> -> memref<128xi32, #tpu.memory_space<vmem>>
    %dma_start3A_120 = arith.constant 0 : i32
    %dma_start3A_121 = arith.constant 0 : i32
    %dma_start3A_122 = tpu.memref_slice %arg3[%dma_start3A_120, %dma_start3A_121] : memref<100001x128xf32, #tpu.memory_space<hbm>> -> memref<100001x128xf32, #tpu.memory_space<hbm>>
    tpu.enqueue_indirect_dma source(%dma_start3A_122 : memref<100001x128xf32, #tpu.memory_space<hbm>>) target(%dma_start3A_116 : memref<128x128xf32, #tpu.memory_space<vmem>>) offsets(%dma_start3A_119 : memref<128xi32, #tpu.memory_space<vmem>>) semaphore(%arg8 : memref<!tpu.dma_semaphore, #tpu.memory_space<semaphore_mem>>)
    %scan3A = arith.constant 0 : i32
    %scan3A_123 = arith.constant 0 : i32
    %scan3A_124 = arith.constant 50 : i32
    %scan3A_125 = arith.addi %scan3A_123, %scan3A_124 : i32
    %scan3A_126 = arith.constant 1 : i32
    scf.for %scan3A_161 = %scan3A_123 to %scan3A_125 step %scan3A_126  : i32 {
      %rem3A = arith.constant 3 : i32
      %rem3A_162 = arith.remsi %scan3A_161, %rem3A : i32
      %rem3A_163 = arith.constant 2 : i32
      %rem3A_164 = arith.remsi %scan3A_161, %rem3A_163 : i32
      %add3A_165 = arith.constant 2 : i32
      %add3A_166 = arith.addi %scan3A_161, %add3A_165 : i32
      %lt3A = arith.constant 50 : i32
      %lt3A_167 = arith.cmpi slt, %add3A_166, %lt3A : i32
      %convert_element_type3A = arith.extui %lt3A_167 : i1 to i32
      %cond3A = arith.constant 0 : i32
      %cond3A_168 = arith.cmpi ne, %convert_element_type3A, %cond3A : i32
      scf.if %cond3A_168 {
        %add3A_208 = arith.constant 2 : i32
        %add3A_209 = arith.addi %scan3A_161, %add3A_208 : i32
        %add3A_210 = arith.constant 2 : i32
        %add3A_211 = arith.addi %scan3A_161, %add3A_210 : i32
        %rem3A_212 = arith.constant 3 : i32
        %rem3A_213 = arith.remsi %add3A_211, %rem3A_212 : i32
        %mul3A_214 = arith.constant 1 : i32
        %mul3A_215 = arith.muli %add3A_209, %mul3A_214 : i32
        %add3A_216 = arith.constant 0 : i32
        %add3A_217 = arith.addi %mul3A_215, %add3A_216 : i32
        %dma_start3A_218 = arith.constant 0 : i32
        %dma_start3A_219 = arith.constant 0 : i32
        %dma_start3A_220 = arith.constant 0 : i32
        %dma_start3A_221 = tpu.memref_slice %arg6[%rem3A_213, %dma_start3A_218, %dma_start3A_219, %dma_start3A_220] : memref<3x1x128x128xf32, #tpu.memory_space<vmem>> -> memref<1x1x128x128xf32, #tpu.memory_space<vmem>>
        %dma_start3A_222 = tpu.memref_squeeze %dma_start3A_221 : memref<1x1x128x128xf32, #tpu.memory_space<vmem>> -> memref<128x128xf32, #tpu.memory_space<vmem>>
        %dma_start3A_223 = arith.constant 0 : i32
        %dma_start3A_224 = tpu.memref_slice %arg5[%add3A_217, %dma_start3A_223] : memref<50x128xi32, #tpu.memory_space<vmem>> -> memref<1x128xi32, #tpu.memory_space<vmem>>
        %dma_start3A_225 = tpu.memref_squeeze %dma_start3A_224 : memref<1x128xi32, #tpu.memory_space<vmem>> -> memref<128xi32, #tpu.memory_space<vmem>>
        %dma_start3A_226 = arith.constant 0 : i32
        %dma_start3A_227 = arith.constant 0 : i32
        %dma_start3A_228 = tpu.memref_slice %arg3[%dma_start3A_226, %dma_start3A_227] : memref<100001x128xf32, #tpu.memory_space<hbm>> -> memref<100001x128xf32, #tpu.memory_space<hbm>>
        tpu.enqueue_indirect_dma source(%dma_start3A_228 : memref<100001x128xf32, #tpu.memory_space<hbm>>) target(%dma_start3A_222 : memref<128x128xf32, #tpu.memory_space<vmem>>) offsets(%dma_start3A_225 : memref<128xi32, #tpu.memory_space<vmem>>) semaphore(%arg8 : memref<!tpu.dma_semaphore, #tpu.memory_space<semaphore_mem>>)
      } else {
      }
      %mul3A_169 = arith.constant 1 : i32
      %mul3A_170 = arith.muli %scan3A_161, %mul3A_169 : i32
      %add3A_171 = arith.constant 0 : i32
      %add3A_172 = arith.addi %mul3A_170, %add3A_171 : i32
      %dma_wait3A_173 = arith.constant 0 : i32
      %dma_wait3A_174 = arith.constant 0 : i32
      %dma_wait3A_175 = arith.constant 0 : i32
      %dma_wait3A_176 = tpu.memref_slice %arg6[%rem3A_162, %dma_wait3A_173, %dma_wait3A_174, %dma_wait3A_175] : memref<3x1x128x128xf32, #tpu.memory_space<vmem>> -> memref<1x1x128x128xf32, #tpu.memory_space<vmem>>
      %dma_wait3A_177 = tpu.memref_squeeze %dma_wait3A_176 : memref<1x1x128x128xf32, #tpu.memory_space<vmem>> -> memref<128x128xf32, #tpu.memory_space<vmem>>
      %dma_wait3A_178 = arith.constant 0 : i32
      %dma_wait3A_179 = tpu.memref_slice %arg5[%add3A_172, %dma_wait3A_178] : memref<50x128xi32, #tpu.memory_space<vmem>> -> memref<1x128xi32, #tpu.memory_space<vmem>>
      %dma_wait3A_180 = tpu.memref_squeeze %dma_wait3A_179 : memref<1x128xi32, #tpu.memory_space<vmem>> -> memref<128xi32, #tpu.memory_space<vmem>>
      %dma_wait3A_181 = arith.constant 0 : i32
      %dma_wait3A_182 = arith.constant 0 : i32
      %dma_wait3A_183 = tpu.memref_slice %arg3[%dma_wait3A_181, %dma_wait3A_182] : memref<100001x128xf32, #tpu.memory_space<hbm>> -> memref<100001x128xf32, #tpu.memory_space<hbm>>
      tpu.wait_indirect_dma semaphore(%arg8 : memref<!tpu.dma_semaphore, #tpu.memory_space<semaphore_mem>>) src(%dma_wait3A_183 : memref<100001x128xf32, #tpu.memory_space<hbm>>) dst(%dma_wait3A_177 : memref<128x128xf32, #tpu.memory_space<vmem>>)
      %ge3A = arith.constant 2 : i32
      %ge3A_184 = arith.cmpi sge, %scan3A_161, %ge3A : i32
      %convert_element_type3A_185 = arith.extui %ge3A_184 : i1 to i32
      %cond3A_186 = arith.constant 0 : i32
      %cond3A_187 = arith.cmpi ne, %convert_element_type3A_185, %cond3A_186 : i32
      scf.if %cond3A_187 {
        %sub3A = arith.constant 2 : i32
        %sub3A_208 = arith.subi %scan3A_161, %sub3A : i32
        %mul3A_209 = arith.constant 1 : i32
        %mul3A_210 = arith.muli %sub3A_208, %mul3A_209 : i32
        %dma_wait3A_211 = arith.constant 0 : i32
        %dma_wait3A_212 = arith.constant 0 : i32
        %dma_wait3A_213 = arith.constant 0 : i32
        %dma_wait3A_214 = tpu.memref_slice %arg7[%rem3A_164, %dma_wait3A_211, %dma_wait3A_212, %dma_wait3A_213] : memref<2x1x64x128xf32, #tpu.memory_space<vmem>> -> memref<1x1x64x128xf32, #tpu.memory_space<vmem>>
        %dma_wait3A_215 = tpu.memref_squeeze %dma_wait3A_214 : memref<1x1x64x128xf32, #tpu.memory_space<vmem>> -> memref<1x64x128xf32, #tpu.memory_space<vmem>>
        %dma_wait3A_216 = arith.constant 0 : i32
        %dma_wait3A_217 = tpu.memref_slice %arg4[%mul3A_210, %dma_wait3A_216, %mul3A_2] : memref<50x64x4096xf32, #tpu.memory_space<hbm>> -> memref<1x64x128xf32, #tpu.memory_space<hbm>>
        %dma_wait3A_218 = arith.constant 0 : i32
        %dma_wait3A_219 = tpu.memref_slice %arg4[%mul3A_210, %dma_wait3A_218, %mul3A_2] : memref<50x64x4096xf32, #tpu.memory_space<hbm>> -> memref<1x64x128xf32, #tpu.memory_space<hbm>>
        %dma_wait3A_220 = arith.constant 0 : i32
        %dma_wait3A_221 = arith.constant 0 : i32
        %dma_wait3A_222 = arith.constant 0 : i32
        %dma_wait3A_223 = tpu.memref_slice %arg7[%rem3A_164, %dma_wait3A_220, %dma_wait3A_221, %dma_wait3A_222] : memref<2x1x64x128xf32, #tpu.memory_space<vmem>> -> memref<1x1x64x128xf32, #tpu.memory_space<vmem>>
        %dma_wait3A_224 = tpu.memref_squeeze %dma_wait3A_223 : memref<1x1x64x128xf32, #tpu.memory_space<vmem>> -> memref<1x64x128xf32, #tpu.memory_space<vmem>>
        tpu.wait_dma2 semaphore(%arg9 : memref<!tpu.dma_semaphore, #tpu.memory_space<semaphore_mem>>) src(%dma_wait3A_224 : memref<1x64x128xf32, #tpu.memory_space<vmem>>) dst(%dma_wait3A_219 : memref<1x64x128xf32, #tpu.memory_space<hbm>>)
      } else {
      }
      %parallel_loop3A = arith.constant 0 : i32
      %parallel_loop3A_188 = arith.constant 32 : i32
      %parallel_loop3A_189 = arith.constant 1 : i32
      %parallel_loop3A_190 = arith.constant 0 : i32
      %parallel_loop3A_191 = arith.constant 0 : i32
      scf.for %parallel_loop3A_208 = %parallel_loop3A to %parallel_loop3A_188 step %parallel_loop3A_189  : i32 {
        %parallel_loop3A_209 = arith.constant 4 : i32
        %parallel_loop3A_210 = arith.constant 0 : i32
        %parallel_loop3A_211 = arith.cmpi eq, %parallel_loop3A_209, %parallel_loop3A_210 : i32
        %parallel_loop3A_212 = arith.constant 1 : i32
        %parallel_loop3A_213 = arith.select %parallel_loop3A_211, %parallel_loop3A_212, %parallel_loop3A_209 : i32
        %parallel_loop3A_214 = arith.remsi %parallel_loop3A_208, %parallel_loop3A_213 : i32
        %parallel_loop3A_215 = arith.constant 0 : i32
        %parallel_loop3A_216 = arith.cmpi ne, %parallel_loop3A_214, %parallel_loop3A_215 : i32
        %parallel_loop3A_217 = arith.constant 0 : i32
        %parallel_loop3A_218 = arith.cmpi slt, %parallel_loop3A_214, %parallel_loop3A_217 : i32
        %parallel_loop3A_219 = arith.constant 0 : i32
        %parallel_loop3A_220 = arith.cmpi slt, %parallel_loop3A_213, %parallel_loop3A_219 : i32
        %parallel_loop3A_221 = arith.xori %parallel_loop3A_218, %parallel_loop3A_220 : i1
        %parallel_loop3A_222 = arith.andi %parallel_loop3A_221, %parallel_loop3A_216 : i1
        %parallel_loop3A_223 = arith.addi %parallel_loop3A_214, %parallel_loop3A_213 : i32
        %parallel_loop3A_224 = arith.select %parallel_loop3A_222, %parallel_loop3A_223, %parallel_loop3A_214 : i32
        %parallel_loop3A_225 = arith.constant 16 : i32
        %parallel_loop3A_226 = arith.muli %parallel_loop3A_224, %parallel_loop3A_225 : i32
        %parallel_loop3A_227 = arith.constant 4 : i32
        %parallel_loop3A_228 = arith.divsi %parallel_loop3A_208, %parallel_loop3A_227 : i32
        %parallel_loop3A_229 = arith.constant 0 : i32
        %parallel_loop3A_230 = arith.cmpi sgt, %parallel_loop3A_208, %parallel_loop3A_229 : i32
        %parallel_loop3A_231 = arith.extui %parallel_loop3A_230 : i1 to i32
        %parallel_loop3A_232 = arith.constant 0 : i32
        %parallel_loop3A_233 = arith.cmpi slt, %parallel_loop3A_208, %parallel_loop3A_232 : i32
        %parallel_loop3A_234 = arith.extui %parallel_loop3A_233 : i1 to i32
        %parallel_loop3A_235 = arith.subi %parallel_loop3A_231, %parallel_loop3A_234 : i32
        %parallel_loop3A_236 = arith.constant 0 : i32
        %parallel_loop3A_237 = arith.cmpi sgt, %parallel_loop3A_227, %parallel_loop3A_236 : i32
        %parallel_loop3A_238 = arith.extui %parallel_loop3A_237 : i1 to i32
        %parallel_loop3A_239 = arith.constant 0 : i32
        %parallel_loop3A_240 = arith.cmpi slt, %parallel_loop3A_227, %parallel_loop3A_239 : i32
        %parallel_loop3A_241 = arith.extui %parallel_loop3A_240 : i1 to i32
        %parallel_loop3A_242 = arith.subi %parallel_loop3A_238, %parallel_loop3A_241 : i32
        %parallel_loop3A_243 = arith.cmpi ne, %parallel_loop3A_235, %parallel_loop3A_242 : i32
        %parallel_loop3A_244 = arith.remsi %parallel_loop3A_208, %parallel_loop3A_227 : i32
        %parallel_loop3A_245 = arith.constant 0 : i32
        %parallel_loop3A_246 = arith.cmpi ne, %parallel_loop3A_244, %parallel_loop3A_245 : i32
        %parallel_loop3A_247 = arith.andi %parallel_loop3A_243, %parallel_loop3A_246 : i1
        %parallel_loop3A_248 = arith.constant 1 : i32
        %parallel_loop3A_249 = arith.subi %parallel_loop3A_228, %parallel_loop3A_248 : i32
        %parallel_loop3A_250 = arith.select %parallel_loop3A_247, %parallel_loop3A_249, %parallel_loop3A_228 : i32
        %parallel_loop3A_251 = arith.constant 16 : i32
        %parallel_loop3A_252 = arith.muli %parallel_loop3A_250, %parallel_loop3A_251 : i32
        %parallel_loop3A_253 = vector.broadcast %parallel_loop3A_252 : i32 to vector<16xi32>
        %parallel_loop3A_254 = arith.addi %parallel_loop3A_253, %iota3A : vector<16xi32>
        %parallel_loop3A_255 = vector.broadcast %parallel_loop3A_226 : i32 to vector<16xi32>
        %parallel_loop3A_256 = arith.addi %parallel_loop3A_255, %and3A_7 : vector<16xi32>
        %parallel_loop3A_257 = arith.constant 0 : i32
        %parallel_loop3A_258 = arith.constant 0 : i32
        %parallel_loop3A_259 = tpu.memref_slice %arg6[%rem3A_162, %parallel_loop3A_190, %parallel_loop3A_257, %parallel_loop3A_258] : memref<3x1x128x128xf32, #tpu.memory_space<vmem>> -> memref<1x1x128x128xf32, #tpu.memory_space<vmem>>
        %parallel_loop3A_260 = tpu.memref_squeeze %parallel_loop3A_259 : memref<1x1x128x128xf32, #tpu.memory_space<vmem>> -> memref<128x128xf32, #tpu.memory_space<vmem>>
        %parallel_loop3A_261 = tpu.vector_load_idx %parallel_loop3A_260[%parallel_loop3A_254, %parallel_loop3A_256] : memref<128x128xf32, #tpu.memory_space<vmem>>[vector<16xi32>, vector<16xi32>], vector<16xf32>,
        %parallel_loop3A_262 = arith.constant 0 : i32
        %parallel_loop3A_263 = arith.constant 0 : i32
        %parallel_loop3A_264 = tpu.memref_slice %arg7[%rem3A_164, %parallel_loop3A_191, %parallel_loop3A_262, %parallel_loop3A_263] : memref<2x1x64x128xf32, #tpu.memory_space<vmem>> -> memref<1x1x64x128xf32, #tpu.memory_space<vmem>>
        %parallel_loop3A_265 = tpu.memref_squeeze %parallel_loop3A_264 : memref<1x1x64x128xf32, #tpu.memory_space<vmem>> -> memref<64x128xf32, #tpu.memory_space<vmem>>
        tpu.vector_store_idx %parallel_loop3A_265[%parallel_loop3A_256, %parallel_loop3A_254], %parallel_loop3A_261 : memref<64x128xf32, #tpu.memory_space<vmem>>[vector<16xi32>, vector<16xi32>], vector<16xf32>,
        %parallel_loop3A_266 = vector.broadcast %parallel_loop3A_226 : i32 to vector<16xi32>
        %parallel_loop3A_267 = arith.addi %parallel_loop3A_266, %and3A_13 : vector<16xi32>
        %parallel_loop3A_268 = arith.constant 0 : i32
        %parallel_loop3A_269 = arith.constant 0 : i32
        %parallel_loop3A_270 = tpu.memref_slice %arg6[%rem3A_162, %parallel_loop3A_190, %parallel_loop3A_268, %parallel_loop3A_269] : memref<3x1x128x128xf32, #tpu.memory_space<vmem>> -> memref<1x1x128x128xf32, #tpu.memory_space<vmem>>
        %parallel_loop3A_271 = tpu.memref_squeeze %parallel_loop3A_270 : memref<1x1x128x128xf32, #tpu.memory_space<vmem>> -> memref<128x128xf32, #tpu.memory_space<vmem>>
        %parallel_loop3A_272 = tpu.vector_load_idx %parallel_loop3A_271[%parallel_loop3A_254, %parallel_loop3A_267] : memref<128x128xf32, #tpu.memory_space<vmem>>[vector<16xi32>, vector<16xi32>], vector<16xf32>,
        %parallel_loop3A_273 = arith.constant 0 : i32
        %parallel_loop3A_274 = arith.constant 0 : i32
        %parallel_loop3A_275 = tpu.memref_slice %arg7[%rem3A_164, %parallel_loop3A_191, %parallel_loop3A_273, %parallel_loop3A_274] : memref<2x1x64x128xf32, #tpu.memory_space<vmem>> -> memref<1x1x64x128xf32, #tpu.memory_space<vmem>>
        %parallel_loop3A_276 = tpu.memref_squeeze %parallel_loop3A_275 : memref<1x1x64x128xf32, #tpu.memory_space<vmem>> -> memref<64x128xf32, #tpu.memory_space<vmem>>
        tpu.vector_store_idx %parallel_loop3A_276[%parallel_loop3A_267, %parallel_loop3A_254], %parallel_loop3A_272 : memref<64x128xf32, #tpu.memory_space<vmem>>[vector<16xi32>, vector<16xi32>], vector<16xf32>,
        %parallel_loop3A_277 = vector.broadcast %parallel_loop3A_226 : i32 to vector<16xi32>
        %parallel_loop3A_278 = arith.addi %parallel_loop3A_277, %and3A_19 : vector<16xi32>
        %parallel_loop3A_279 = arith.constant 0 : i32
        %parallel_loop3A_280 = arith.constant 0 : i32
        %parallel_loop3A_281 = tpu.memref_slice %arg6[%rem3A_162, %parallel_loop3A_190, %parallel_loop3A_279, %parallel_loop3A_280] : memref<3x1x128x128xf32, #tpu.memory_space<vmem>> -> memref<1x1x128x128xf32, #tpu.memory_space<vmem>>
        %parallel_loop3A_282 = tpu.memref_squeeze %parallel_loop3A_281 : memref<1x1x128x128xf32, #tpu.memory_space<vmem>> -> memref<128x128xf32, #tpu.memory_space<vmem>>
        %parallel_loop3A_283 = tpu.vector_load_idx %parallel_loop3A_282[%parallel_loop3A_254, %parallel_loop3A_278] : memref<128x128xf32, #tpu.memory_space<vmem>>[vector<16xi32>, vector<16xi32>], vector<16xf32>,
        %parallel_loop3A_284 = arith.constant 0 : i32
        %parallel_loop3A_285 = arith.constant 0 : i32
        %parallel_loop3A_286 = tpu.memref_slice %arg7[%rem3A_164, %parallel_loop3A_191, %parallel_loop3A_284, %parallel_loop3A_285] : memref<2x1x64x128xf32, #tpu.memory_space<vmem>> -> memref<1x1x64x128xf32, #tpu.memory_space<vmem>>
        %parallel_loop3A_287 = tpu.memref_squeeze %parallel_loop3A_286 : memref<1x1x64x128xf32, #tpu.memory_space<vmem>> -> memref<64x128xf32, #tpu.memory_space<vmem>>
        tpu.vector_store_idx %parallel_loop3A_287[%parallel_loop3A_278, %parallel_loop3A_254], %parallel_loop3A_283 : memref<64x128xf32, #tpu.memory_space<vmem>>[vector<16xi32>, vector<16xi32>], vector<16xf32>,
        %parallel_loop3A_288 = vector.broadcast %parallel_loop3A_226 : i32 to vector<16xi32>
        %parallel_loop3A_289 = arith.addi %parallel_loop3A_288, %and3A_25 : vector<16xi32>
        %parallel_loop3A_290 = arith.constant 0 : i32
        %parallel_loop3A_291 = arith.constant 0 : i32
        %parallel_loop3A_292 = tpu.memref_slice %arg6[%rem3A_162, %parallel_loop3A_190, %parallel_loop3A_290, %parallel_loop3A_291] : memref<3x1x128x128xf32, #tpu.memory_space<vmem>> -> memref<1x1x128x128xf32, #tpu.memory_space<vmem>>
        %parallel_loop3A_293 = tpu.memref_squeeze %parallel_loop3A_292 : memref<1x1x128x128xf32, #tpu.memory_space<vmem>> -> memref<128x128xf32, #tpu.memory_space<vmem>>
        %parallel_loop3A_294 = tpu.vector_load_idx %parallel_loop3A_293[%parallel_loop3A_254, %parallel_loop3A_289] : memref<128x128xf32, #tpu.memory_space<vmem>>[vector<16xi32>, vector<16xi32>], vector<16xf32>,
        %parallel_loop3A_295 = arith.constant 0 : i32
        %parallel_loop3A_296 = arith.constant 0 : i32
        %parallel_loop3A_297 = tpu.memref_slice %arg7[%rem3A_164, %parallel_loop3A_191, %parallel_loop3A_295, %parallel_loop3A_296] : memref<2x1x64x128xf32, #tpu.memory_space<vmem>> -> memref<1x1x64x128xf32, #tpu.memory_space<vmem>>
        %parallel_loop3A_298 = tpu.memref_squeeze %parallel_loop3A_297 : memref<1x1x64x128xf32, #tpu.memory_space<vmem>> -> memref<64x128xf32, #tpu.memory_space<vmem>>
        tpu.vector_store_idx %parallel_loop3A_298[%parallel_loop3A_289, %parallel_loop3A_254], %parallel_loop3A_294 : memref<64x128xf32, #tpu.memory_space<vmem>>[vector<16xi32>, vector<16xi32>], vector<16xf32>,
        %parallel_loop3A_299 = vector.broadcast %parallel_loop3A_226 : i32 to vector<16xi32>
        %parallel_loop3A_300 = arith.addi %parallel_loop3A_299, %and3A_31 : vector<16xi32>
        %parallel_loop3A_301 = arith.constant 0 : i32
        %parallel_loop3A_302 = arith.constant 0 : i32
        %parallel_loop3A_303 = tpu.memref_slice %arg6[%rem3A_162, %parallel_loop3A_190, %parallel_loop3A_301, %parallel_loop3A_302] : memref<3x1x128x128xf32, #tpu.memory_space<vmem>> -> memref<1x1x128x128xf32, #tpu.memory_space<vmem>>
        %parallel_loop3A_304 = tpu.memref_squeeze %parallel_loop3A_303 : memref<1x1x128x128xf32, #tpu.memory_space<vmem>> -> memref<128x128xf32, #tpu.memory_space<vmem>>
        %parallel_loop3A_305 = tpu.vector_load_idx %parallel_loop3A_304[%parallel_loop3A_254, %parallel_loop3A_300] : memref<128x128xf32, #tpu.memory_space<vmem>>[vector<16xi32>, vector<16xi32>], vector<16xf32>,
        %parallel_loop3A_306 = arith.constant 0 : i32
        %parallel_loop3A_307 = arith.constant 0 : i32
        %parallel_loop3A_308 = tpu.memref_slice %arg7[%rem3A_164, %parallel_loop3A_191, %parallel_loop3A_306, %parallel_loop3A_307] : memref<2x1x64x128xf32, #tpu.memory_space<vmem>> -> memref<1x1x64x128xf32, #tpu.memory_space<vmem>>
        %parallel_loop3A_309 = tpu.memref_squeeze %parallel_loop3A_308 : memref<1x1x64x128xf32, #tpu.memory_space<vmem>> -> memref<64x128xf32, #tpu.memory_space<vmem>>
        tpu.vector_store_idx %parallel_loop3A_309[%parallel_loop3A_300, %parallel_loop3A_254], %parallel_loop3A_305 : memref<64x128xf32, #tpu.memory_space<vmem>>[vector<16xi32>, vector<16xi32>], vector<16xf32>,
        %parallel_loop3A_310 = vector.broadcast %parallel_loop3A_226 : i32 to vector<16xi32>
        %parallel_loop3A_311 = arith.addi %parallel_loop3A_310, %and3A_37 : vector<16xi32>
        %parallel_loop3A_312 = arith.constant 0 : i32
        %parallel_loop3A_313 = arith.constant 0 : i32
        %parallel_loop3A_314 = tpu.memref_slice %arg6[%rem3A_162, %parallel_loop3A_190, %parallel_loop3A_312, %parallel_loop3A_313] : memref<3x1x128x128xf32, #tpu.memory_space<vmem>> -> memref<1x1x128x128xf32, #tpu.memory_space<vmem>>
        %parallel_loop3A_315 = tpu.memref_squeeze %parallel_loop3A_314 : memref<1x1x128x128xf32, #tpu.memory_space<vmem>> -> memref<128x128xf32, #tpu.memory_space<vmem>>
        %parallel_loop3A_316 = tpu.vector_load_idx %parallel_loop3A_315[%parallel_loop3A_254, %parallel_loop3A_311] : memref<128x128xf32, #tpu.memory_space<vmem>>[vector<16xi32>, vector<16xi32>], vector<16xf32>,
        %parallel_loop3A_317 = arith.constant 0 : i32
        %parallel_loop3A_318 = arith.constant 0 : i32
        %parallel_loop3A_319 = tpu.memref_slice %arg7[%rem3A_164, %parallel_loop3A_191, %parallel_loop3A_317, %parallel_loop3A_318] : memref<2x1x64x128xf32, #tpu.memory_space<vmem>> -> memref<1x1x64x128xf32, #tpu.memory_space<vmem>>
        %parallel_loop3A_320 = tpu.memref_squeeze %parallel_loop3A_319 : memref<1x1x64x128xf32, #tpu.memory_space<vmem>> -> memref<64x128xf32, #tpu.memory_space<vmem>>
        tpu.vector_store_idx %parallel_loop3A_320[%parallel_loop3A_311, %parallel_loop3A_254], %parallel_loop3A_316 : memref<64x128xf32, #tpu.memory_space<vmem>>[vector<16xi32>, vector<16xi32>], vector<16xf32>,
        %parallel_loop3A_321 = vector.broadcast %parallel_loop3A_226 : i32 to vector<16xi32>
        %parallel_loop3A_322 = arith.addi %parallel_loop3A_321, %and3A_43 : vector<16xi32>
        %parallel_loop3A_323 = arith.constant 0 : i32
        %parallel_loop3A_324 = arith.constant 0 : i32
        %parallel_loop3A_325 = tpu.memref_slice %arg6[%rem3A_162, %parallel_loop3A_190, %parallel_loop3A_323, %parallel_loop3A_324] : memref<3x1x128x128xf32, #tpu.memory_space<vmem>> -> memref<1x1x128x128xf32, #tpu.memory_space<vmem>>
        %parallel_loop3A_326 = tpu.memref_squeeze %parallel_loop3A_325 : memref<1x1x128x128xf32, #tpu.memory_space<vmem>> -> memref<128x128xf32, #tpu.memory_space<vmem>>
        %parallel_loop3A_327 = tpu.vector_load_idx %parallel_loop3A_326[%parallel_loop3A_254, %parallel_loop3A_322] : memref<128x128xf32, #tpu.memory_space<vmem>>[vector<16xi32>, vector<16xi32>], vector<16xf32>,
        %parallel_loop3A_328 = arith.constant 0 : i32
        %parallel_loop3A_329 = arith.constant 0 : i32
        %parallel_loop3A_330 = tpu.memref_slice %arg7[%rem3A_164, %parallel_loop3A_191, %parallel_loop3A_328, %parallel_loop3A_329] : memref<2x1x64x128xf32, #tpu.memory_space<vmem>> -> memref<1x1x64x128xf32, #tpu.memory_space<vmem>>
        %parallel_loop3A_331 = tpu.memref_squeeze %parallel_loop3A_330 : memref<1x1x64x128xf32, #tpu.memory_space<vmem>> -> memref<64x128xf32, #tpu.memory_space<vmem>>
        tpu.vector_store_idx %parallel_loop3A_331[%parallel_loop3A_322, %parallel_loop3A_254], %parallel_loop3A_327 : memref<64x128xf32, #tpu.memory_space<vmem>>[vector<16xi32>, vector<16xi32>], vector<16xf32>,
        %parallel_loop3A_332 = vector.broadcast %parallel_loop3A_226 : i32 to vector<16xi32>
        %parallel_loop3A_333 = arith.addi %parallel_loop3A_332, %and3A_49 : vector<16xi32>
        %parallel_loop3A_334 = arith.constant 0 : i32
        %parallel_loop3A_335 = arith.constant 0 : i32
        %parallel_loop3A_336 = tpu.memref_slice %arg6[%rem3A_162, %parallel_loop3A_190, %parallel_loop3A_334, %parallel_loop3A_335] : memref<3x1x128x128xf32, #tpu.memory_space<vmem>> -> memref<1x1x128x128xf32, #tpu.memory_space<vmem>>
        %parallel_loop3A_337 = tpu.memref_squeeze %parallel_loop3A_336 : memref<1x1x128x128xf32, #tpu.memory_space<vmem>> -> memref<128x128xf32, #tpu.memory_space<vmem>>
        %parallel_loop3A_338 = tpu.vector_load_idx %parallel_loop3A_337[%parallel_loop3A_254, %parallel_loop3A_333] : memref<128x128xf32, #tpu.memory_space<vmem>>[vector<16xi32>, vector<16xi32>], vector<16xf32>,
        %parallel_loop3A_339 = arith.constant 0 : i32
        %parallel_loop3A_340 = arith.constant 0 : i32
        %parallel_loop3A_341 = tpu.memref_slice %arg7[%rem3A_164, %parallel_loop3A_191, %parallel_loop3A_339, %parallel_loop3A_340] : memref<2x1x64x128xf32, #tpu.memory_space<vmem>> -> memref<1x1x64x128xf32, #tpu.memory_space<vmem>>
        %parallel_loop3A_342 = tpu.memref_squeeze %parallel_loop3A_341 : memref<1x1x64x128xf32, #tpu.memory_space<vmem>> -> memref<64x128xf32, #tpu.memory_space<vmem>>
        tpu.vector_store_idx %parallel_loop3A_342[%parallel_loop3A_333, %parallel_loop3A_254], %parallel_loop3A_338 : memref<64x128xf32, #tpu.memory_space<vmem>>[vector<16xi32>, vector<16xi32>], vector<16xf32>,
        %parallel_loop3A_343 = vector.broadcast %parallel_loop3A_226 : i32 to vector<16xi32>
        %parallel_loop3A_344 = arith.addi %parallel_loop3A_343, %and3A_55 : vector<16xi32>
        %parallel_loop3A_345 = arith.constant 0 : i32
        %parallel_loop3A_346 = arith.constant 0 : i32
        %parallel_loop3A_347 = tpu.memref_slice %arg6[%rem3A_162, %parallel_loop3A_190, %parallel_loop3A_345, %parallel_loop3A_346] : memref<3x1x128x128xf32, #tpu.memory_space<vmem>> -> memref<1x1x128x128xf32, #tpu.memory_space<vmem>>
        %parallel_loop3A_348 = tpu.memref_squeeze %parallel_loop3A_347 : memref<1x1x128x128xf32, #tpu.memory_space<vmem>> -> memref<128x128xf32, #tpu.memory_space<vmem>>
        %parallel_loop3A_349 = tpu.vector_load_idx %parallel_loop3A_348[%parallel_loop3A_254, %parallel_loop3A_344] : memref<128x128xf32, #tpu.memory_space<vmem>>[vector<16xi32>, vector<16xi32>], vector<16xf32>,
        %parallel_loop3A_350 = arith.constant 0 : i32
        %parallel_loop3A_351 = arith.constant 0 : i32
        %parallel_loop3A_352 = tpu.memref_slice %arg7[%rem3A_164, %parallel_loop3A_191, %parallel_loop3A_350, %parallel_loop3A_351] : memref<2x1x64x128xf32, #tpu.memory_space<vmem>> -> memref<1x1x64x128xf32, #tpu.memory_space<vmem>>
        %parallel_loop3A_353 = tpu.memref_squeeze %parallel_loop3A_352 : memref<1x1x64x128xf32, #tpu.memory_space<vmem>> -> memref<64x128xf32, #tpu.memory_space<vmem>>
        tpu.vector_store_idx %parallel_loop3A_353[%parallel_loop3A_344, %parallel_loop3A_254], %parallel_loop3A_349 : memref<64x128xf32, #tpu.memory_space<vmem>>[vector<16xi32>, vector<16xi32>], vector<16xf32>,
        %parallel_loop3A_354 = vector.broadcast %parallel_loop3A_226 : i32 to vector<16xi32>
        %parallel_loop3A_355 = arith.addi %parallel_loop3A_354, %and3A_61 : vector<16xi32>
        %parallel_loop3A_356 = arith.constant 0 : i32
        %parallel_loop3A_357 = arith.constant 0 : i32
        %parallel_loop3A_358 = tpu.memref_slice %arg6[%rem3A_162, %parallel_loop3A_190, %parallel_loop3A_356, %parallel_loop3A_357] : memref<3x1x128x128xf32, #tpu.memory_space<vmem>> -> memref<1x1x128x128xf32, #tpu.memory_space<vmem>>
        %parallel_loop3A_359 = tpu.memref_squeeze %parallel_loop3A_358 : memref<1x1x128x128xf32, #tpu.memory_space<vmem>> -> memref<128x128xf32, #tpu.memory_space<vmem>>
        %parallel_loop3A_360 = tpu.vector_load_idx %parallel_loop3A_359[%parallel_loop3A_254, %parallel_loop3A_355] : memref<128x128xf32, #tpu.memory_space<vmem>>[vector<16xi32>, vector<16xi32>], vector<16xf32>,
        %parallel_loop3A_361 = arith.constant 0 : i32
        %parallel_loop3A_362 = arith.constant 0 : i32
        %parallel_loop3A_363 = tpu.memref_slice %arg7[%rem3A_164, %parallel_loop3A_191, %parallel_loop3A_361, %parallel_loop3A_362] : memref<2x1x64x128xf32, #tpu.memory_space<vmem>> -> memref<1x1x64x128xf32, #tpu.memory_space<vmem>>
        %parallel_loop3A_364 = tpu.memref_squeeze %parallel_loop3A_363 : memref<1x1x64x128xf32, #tpu.memory_space<vmem>> -> memref<64x128xf32, #tpu.memory_space<vmem>>
        tpu.vector_store_idx %parallel_loop3A_364[%parallel_loop3A_355, %parallel_loop3A_254], %parallel_loop3A_360 : memref<64x128xf32, #tpu.memory_space<vmem>>[vector<16xi32>, vector<16xi32>], vector<16xf32>,
        %parallel_loop3A_365 = vector.broadcast %parallel_loop3A_226 : i32 to vector<16xi32>
        %parallel_loop3A_366 = arith.addi %parallel_loop3A_365, %and3A_67 : vector<16xi32>
        %parallel_loop3A_367 = arith.constant 0 : i32
        %parallel_loop3A_368 = arith.constant 0 : i32
        %parallel_loop3A_369 = tpu.memref_slice %arg6[%rem3A_162, %parallel_loop3A_190, %parallel_loop3A_367, %parallel_loop3A_368] : memref<3x1x128x128xf32, #tpu.memory_space<vmem>> -> memref<1x1x128x128xf32, #tpu.memory_space<vmem>>
        %parallel_loop3A_370 = tpu.memref_squeeze %parallel_loop3A_369 : memref<1x1x128x128xf32, #tpu.memory_space<vmem>> -> memref<128x128xf32, #tpu.memory_space<vmem>>
        %parallel_loop3A_371 = tpu.vector_load_idx %parallel_loop3A_370[%parallel_loop3A_254, %parallel_loop3A_366] : memref<128x128xf32, #tpu.memory_space<vmem>>[vector<16xi32>, vector<16xi32>], vector<16xf32>,
        %parallel_loop3A_372 = arith.constant 0 : i32
        %parallel_loop3A_373 = arith.constant 0 : i32
        %parallel_loop3A_374 = tpu.memref_slice %arg7[%rem3A_164, %parallel_loop3A_191, %parallel_loop3A_372, %parallel_loop3A_373] : memref<2x1x64x128xf32, #tpu.memory_space<vmem>> -> memref<1x1x64x128xf32, #tpu.memory_space<vmem>>
        %parallel_loop3A_375 = tpu.memref_squeeze %parallel_loop3A_374 : memref<1x1x64x128xf32, #tpu.memory_space<vmem>> -> memref<64x128xf32, #tpu.memory_space<vmem>>
        tpu.vector_store_idx %parallel_loop3A_375[%parallel_loop3A_366, %parallel_loop3A_254], %parallel_loop3A_371 : memref<64x128xf32, #tpu.memory_space<vmem>>[vector<16xi32>, vector<16xi32>], vector<16xf32>,
        %parallel_loop3A_376 = vector.broadcast %parallel_loop3A_226 : i32 to vector<16xi32>
        %parallel_loop3A_377 = arith.addi %parallel_loop3A_376, %and3A_73 : vector<16xi32>
        %parallel_loop3A_378 = arith.constant 0 : i32
        %parallel_loop3A_379 = arith.constant 0 : i32
        %parallel_loop3A_380 = tpu.memref_slice %arg6[%rem3A_162, %parallel_loop3A_190, %parallel_loop3A_378, %parallel_loop3A_379] : memref<3x1x128x128xf32, #tpu.memory_space<vmem>> -> memref<1x1x128x128xf32, #tpu.memory_space<vmem>>
        %parallel_loop3A_381 = tpu.memref_squeeze %parallel_loop3A_380 : memref<1x1x128x128xf32, #tpu.memory_space<vmem>> -> memref<128x128xf32, #tpu.memory_space<vmem>>
        %parallel_loop3A_382 = tpu.vector_load_idx %parallel_loop3A_381[%parallel_loop3A_254, %parallel_loop3A_377] : memref<128x128xf32, #tpu.memory_space<vmem>>[vector<16xi32>, vector<16xi32>], vector<16xf32>,
        %parallel_loop3A_383 = arith.constant 0 : i32
        %parallel_loop3A_384 = arith.constant 0 : i32
        %parallel_loop3A_385 = tpu.memref_slice %arg7[%rem3A_164, %parallel_loop3A_191, %parallel_loop3A_383, %parallel_loop3A_384] : memref<2x1x64x128xf32, #tpu.memory_space<vmem>> -> memref<1x1x64x128xf32, #tpu.memory_space<vmem>>
        %parallel_loop3A_386 = tpu.memref_squeeze %parallel_loop3A_385 : memref<1x1x64x128xf32, #tpu.memory_space<vmem>> -> memref<64x128xf32, #tpu.memory_space<vmem>>
        tpu.vector_store_idx %parallel_loop3A_386[%parallel_loop3A_377, %parallel_loop3A_254], %parallel_loop3A_382 : memref<64x128xf32, #tpu.memory_space<vmem>>[vector<16xi32>, vector<16xi32>], vector<16xf32>,
        %parallel_loop3A_387 = vector.broadcast %parallel_loop3A_226 : i32 to vector<16xi32>
        %parallel_loop3A_388 = arith.addi %parallel_loop3A_387, %and3A_79 : vector<16xi32>
        %parallel_loop3A_389 = arith.constant 0 : i32
        %parallel_loop3A_390 = arith.constant 0 : i32
        %parallel_loop3A_391 = tpu.memref_slice %arg6[%rem3A_162, %parallel_loop3A_190, %parallel_loop3A_389, %parallel_loop3A_390] : memref<3x1x128x128xf32, #tpu.memory_space<vmem>> -> memref<1x1x128x128xf32, #tpu.memory_space<vmem>>
        %parallel_loop3A_392 = tpu.memref_squeeze %parallel_loop3A_391 : memref<1x1x128x128xf32, #tpu.memory_space<vmem>> -> memref<128x128xf32, #tpu.memory_space<vmem>>
        %parallel_loop3A_393 = tpu.vector_load_idx %parallel_loop3A_392[%parallel_loop3A_254, %parallel_loop3A_388] : memref<128x128xf32, #tpu.memory_space<vmem>>[vector<16xi32>, vector<16xi32>], vector<16xf32>,
        %parallel_loop3A_394 = arith.constant 0 : i32
        %parallel_loop3A_395 = arith.constant 0 : i32
        %parallel_loop3A_396 = tpu.memref_slice %arg7[%rem3A_164, %parallel_loop3A_191, %parallel_loop3A_394, %parallel_loop3A_395] : memref<2x1x64x128xf32, #tpu.memory_space<vmem>> -> memref<1x1x64x128xf32, #tpu.memory_space<vmem>>
        %parallel_loop3A_397 = tpu.memref_squeeze %parallel_loop3A_396 : memref<1x1x64x128xf32, #tpu.memory_space<vmem>> -> memref<64x128xf32, #tpu.memory_space<vmem>>
        tpu.vector_store_idx %parallel_loop3A_397[%parallel_loop3A_388, %parallel_loop3A_254], %parallel_loop3A_393 : memref<64x128xf32, #tpu.memory_space<vmem>>[vector<16xi32>, vector<16xi32>], vector<16xf32>,
        %parallel_loop3A_398 = vector.broadcast %parallel_loop3A_226 : i32 to vector<16xi32>
        %parallel_loop3A_399 = arith.addi %parallel_loop3A_398, %and3A_85 : vector<16xi32>
        %parallel_loop3A_400 = arith.constant 0 : i32
        %parallel_loop3A_401 = arith.constant 0 : i32
        %parallel_loop3A_402 = tpu.memref_slice %arg6[%rem3A_162, %parallel_loop3A_190, %parallel_loop3A_400, %parallel_loop3A_401] : memref<3x1x128x128xf32, #tpu.memory_space<vmem>> -> memref<1x1x128x128xf32, #tpu.memory_space<vmem>>
        %parallel_loop3A_403 = tpu.memref_squeeze %parallel_loop3A_402 : memref<1x1x128x128xf32, #tpu.memory_space<vmem>> -> memref<128x128xf32, #tpu.memory_space<vmem>>
        %parallel_loop3A_404 = tpu.vector_load_idx %parallel_loop3A_403[%parallel_loop3A_254, %parallel_loop3A_399] : memref<128x128xf32, #tpu.memory_space<vmem>>[vector<16xi32>, vector<16xi32>], vector<16xf32>,
        %parallel_loop3A_405 = arith.constant 0 : i32
        %parallel_loop3A_406 = arith.constant 0 : i32
        %parallel_loop3A_407 = tpu.memref_slice %arg7[%rem3A_164, %parallel_loop3A_191, %parallel_loop3A_405, %parallel_loop3A_406] : memref<2x1x64x128xf32, #tpu.memory_space<vmem>> -> memref<1x1x64x128xf32, #tpu.memory_space<vmem>>
        %parallel_loop3A_408 = tpu.memref_squeeze %parallel_loop3A_407 : memref<1x1x64x128xf32, #tpu.memory_space<vmem>> -> memref<64x128xf32, #tpu.memory_space<vmem>>
        tpu.vector_store_idx %parallel_loop3A_408[%parallel_loop3A_399, %parallel_loop3A_254], %parallel_loop3A_404 : memref<64x128xf32, #tpu.memory_space<vmem>>[vector<16xi32>, vector<16xi32>], vector<16xf32>,
        %parallel_loop3A_409 = vector.broadcast %parallel_loop3A_226 : i32 to vector<16xi32>
        %parallel_loop3A_410 = arith.addi %parallel_loop3A_409, %and3A_91 : vector<16xi32>
        %parallel_loop3A_411 = arith.constant 0 : i32
        %parallel_loop3A_412 = arith.constant 0 : i32
        %parallel_loop3A_413 = tpu.memref_slice %arg6[%rem3A_162, %parallel_loop3A_190, %parallel_loop3A_411, %parallel_loop3A_412] : memref<3x1x128x128xf32, #tpu.memory_space<vmem>> -> memref<1x1x128x128xf32, #tpu.memory_space<vmem>>
        %parallel_loop3A_414 = tpu.memref_squeeze %parallel_loop3A_413 : memref<1x1x128x128xf32, #tpu.memory_space<vmem>> -> memref<128x128xf32, #tpu.memory_space<vmem>>
        %parallel_loop3A_415 = tpu.vector_load_idx %parallel_loop3A_414[%parallel_loop3A_254, %parallel_loop3A_410] : memref<128x128xf32, #tpu.memory_space<vmem>>[vector<16xi32>, vector<16xi32>], vector<16xf32>,
        %parallel_loop3A_416 = arith.constant 0 : i32
        %parallel_loop3A_417 = arith.constant 0 : i32
        %parallel_loop3A_418 = tpu.memref_slice %arg7[%rem3A_164, %parallel_loop3A_191, %parallel_loop3A_416, %parallel_loop3A_417] : memref<2x1x64x128xf32, #tpu.memory_space<vmem>> -> memref<1x1x64x128xf32, #tpu.memory_space<vmem>>
        %parallel_loop3A_419 = tpu.memref_squeeze %parallel_loop3A_418 : memref<1x1x64x128xf32, #tpu.memory_space<vmem>> -> memref<64x128xf32, #tpu.memory_space<vmem>>
        tpu.vector_store_idx %parallel_loop3A_419[%parallel_loop3A_410, %parallel_loop3A_254], %parallel_loop3A_415 : memref<64x128xf32, #tpu.memory_space<vmem>>[vector<16xi32>, vector<16xi32>], vector<16xf32>,
        %parallel_loop3A_420 = vector.broadcast %parallel_loop3A_226 : i32 to vector<16xi32>
        %parallel_loop3A_421 = arith.addi %parallel_loop3A_420, %and3A_97 : vector<16xi32>
        %parallel_loop3A_422 = arith.constant 0 : i32
        %parallel_loop3A_423 = arith.constant 0 : i32
        %parallel_loop3A_424 = tpu.memref_slice %arg6[%rem3A_162, %parallel_loop3A_190, %parallel_loop3A_422, %parallel_loop3A_423] : memref<3x1x128x128xf32, #tpu.memory_space<vmem>> -> memref<1x1x128x128xf32, #tpu.memory_space<vmem>>
        %parallel_loop3A_425 = tpu.memref_squeeze %parallel_loop3A_424 : memref<1x1x128x128xf32, #tpu.memory_space<vmem>> -> memref<128x128xf32, #tpu.memory_space<vmem>>
        %parallel_loop3A_426 = tpu.vector_load_idx %parallel_loop3A_425[%parallel_loop3A_254, %parallel_loop3A_421] : memref<128x128xf32, #tpu.memory_space<vmem>>[vector<16xi32>, vector<16xi32>], vector<16xf32>,
        %parallel_loop3A_427 = arith.constant 0 : i32
        %parallel_loop3A_428 = arith.constant 0 : i32
        %parallel_loop3A_429 = tpu.memref_slice %arg7[%rem3A_164, %parallel_loop3A_191, %parallel_loop3A_427, %parallel_loop3A_428] : memref<2x1x64x128xf32, #tpu.memory_space<vmem>> -> memref<1x1x64x128xf32, #tpu.memory_space<vmem>>
        %parallel_loop3A_430 = tpu.memref_squeeze %parallel_loop3A_429 : memref<1x1x64x128xf32, #tpu.memory_space<vmem>> -> memref<64x128xf32, #tpu.memory_space<vmem>>
        tpu.vector_store_idx %parallel_loop3A_430[%parallel_loop3A_421, %parallel_loop3A_254], %parallel_loop3A_426 : memref<64x128xf32, #tpu.memory_space<vmem>>[vector<16xi32>, vector<16xi32>], vector<16xf32>,
      } {sc.loop_unroll_factor = 2 : i64, sc.parallel_access}
      %mul3A_192 = arith.constant 1 : i32
      %mul3A_193 = arith.muli %scan3A_161, %mul3A_192 : i32
      %dma_start3A_194 = arith.constant 0 : i32
      %dma_start3A_195 = arith.constant 0 : i32
      %dma_start3A_196 = arith.constant 0 : i32
      %dma_start3A_197 = tpu.memref_slice %arg7[%rem3A_164, %dma_start3A_194, %dma_start3A_195, %dma_start3A_196] : memref<2x1x64x128xf32, #tpu.memory_space<vmem>> -> memref<1x1x64x128xf32, #tpu.memory_space<vmem>>
      %dma_start3A_198 = tpu.memref_squeeze %dma_start3A_197 : memref<1x1x64x128xf32, #tpu.memory_space<vmem>> -> memref<1x64x128xf32, #tpu.memory_space<vmem>>
      %dma_start3A_199 = arith.constant 0 : i32
      %dma_start3A_200 = tpu.memref_slice %arg4[%mul3A_193, %dma_start3A_199, %mul3A_2] : memref<50x64x4096xf32, #tpu.memory_space<hbm>> -> memref<1x64x128xf32, #tpu.memory_space<hbm>>
      %dma_start3A_201 = arith.constant 0 : i32
      %dma_start3A_202 = tpu.memref_slice %arg4[%mul3A_193, %dma_start3A_201, %mul3A_2] : memref<50x64x4096xf32, #tpu.memory_space<hbm>> -> memref<1x64x128xf32, #tpu.memory_space<hbm>>
      %dma_start3A_203 = arith.constant 0 : i32
      %dma_start3A_204 = arith.constant 0 : i32
      %dma_start3A_205 = arith.constant 0 : i32
      %dma_start3A_206 = tpu.memref_slice %arg7[%rem3A_164, %dma_start3A_203, %dma_start3A_204, %dma_start3A_205] : memref<2x1x64x128xf32, #tpu.memory_space<vmem>> -> memref<1x1x64x128xf32, #tpu.memory_space<vmem>>
      %dma_start3A_207 = tpu.memref_squeeze %dma_start3A_206 : memref<1x1x64x128xf32, #tpu.memory_space<vmem>> -> memref<1x64x128xf32, #tpu.memory_space<vmem>>
      tpu.enqueue_dma source(%dma_start3A_207 : memref<1x64x128xf32, #tpu.memory_space<vmem>>) target(%dma_start3A_202 : memref<1x64x128xf32, #tpu.memory_space<hbm>>) target_semaphore(%arg9 : memref<!tpu.dma_semaphore, #tpu.memory_space<semaphore_mem>>)
    }
    %scan3A_127 = arith.constant 50 : i32
    %dma_wait3A = arith.constant 0 : i32
    %dma_wait3A_128 = arith.constant 0 : i32
    %dma_wait3A_129 = arith.constant 0 : i32
    %dma_wait3A_130 = arith.constant 0 : i32
    %dma_wait3A_131 = tpu.memref_slice %arg7[%dma_wait3A, %dma_wait3A_128, %dma_wait3A_129, %dma_wait3A_130] : memref<2x1x64x128xf32, #tpu.memory_space<vmem>> -> memref<1x1x64x128xf32, #tpu.memory_space<vmem>>
    %dma_wait3A_132 = tpu.memref_squeeze %dma_wait3A_131 : memref<1x1x64x128xf32, #tpu.memory_space<vmem>> -> memref<1x64x128xf32, #tpu.memory_space<vmem>>
    %dma_wait3A_133 = arith.constant 48 : i32
    %dma_wait3A_134 = arith.constant 0 : i32
    %dma_wait3A_135 = tpu.memref_slice %arg4[%dma_wait3A_133, %dma_wait3A_134, %mul3A_2] : memref<50x64x4096xf32, #tpu.memory_space<hbm>> -> memref<1x64x128xf32, #tpu.memory_space<hbm>>
    %dma_wait3A_136 = arith.constant 48 : i32
    %dma_wait3A_137 = arith.constant 0 : i32
    %dma_wait3A_138 = tpu.memref_slice %arg4[%dma_wait3A_136, %dma_wait3A_137, %mul3A_2] : memref<50x64x4096xf32, #tpu.memory_space<hbm>> -> memref<1x64x128xf32, #tpu.memory_space<hbm>>
    %dma_wait3A_139 = arith.constant 0 : i32
    %dma_wait3A_140 = arith.constant 0 : i32
    %dma_wait3A_141 = arith.constant 0 : i32
    %dma_wait3A_142 = tpu.memref_slice %arg7[%dma_wait3A, %dma_wait3A_139, %dma_wait3A_140, %dma_wait3A_141] : memref<2x1x64x128xf32, #tpu.memory_space<vmem>> -> memref<1x1x64x128xf32, #tpu.memory_space<vmem>>
    %dma_wait3A_143 = tpu.memref_squeeze %dma_wait3A_142 : memref<1x1x64x128xf32, #tpu.memory_space<vmem>> -> memref<1x64x128xf32, #tpu.memory_space<vmem>>
    tpu.wait_dma2 semaphore(%arg9 : memref<!tpu.dma_semaphore, #tpu.memory_space<semaphore_mem>>) src(%dma_wait3A_143 : memref<1x64x128xf32, #tpu.memory_space<vmem>>) dst(%dma_wait3A_138 : memref<1x64x128xf32, #tpu.memory_space<hbm>>)
    %dma_wait3A_144 = arith.constant 1 : i32
    %dma_wait3A_145 = arith.constant 0 : i32
    %dma_wait3A_146 = arith.constant 0 : i32
    %dma_wait3A_147 = arith.constant 0 : i32
    %dma_wait3A_148 = tpu.memref_slice %arg7[%dma_wait3A_144, %dma_wait3A_145, %dma_wait3A_146, %dma_wait3A_147] : memref<2x1x64x128xf32, #tpu.memory_space<vmem>> -> memref<1x1x64x128xf32, #tpu.memory_space<vmem>>
    %dma_wait3A_149 = tpu.memref_squeeze %dma_wait3A_148 : memref<1x1x64x128xf32, #tpu.memory_space<vmem>> -> memref<1x64x128xf32, #tpu.memory_space<vmem>>
    %dma_wait3A_150 = arith.constant 49 : i32
    %dma_wait3A_151 = arith.constant 0 : i32
    %dma_wait3A_152 = tpu.memref_slice %arg4[%dma_wait3A_150, %dma_wait3A_151, %mul3A_2] : memref<50x64x4096xf32, #tpu.memory_space<hbm>> -> memref<1x64x128xf32, #tpu.memory_space<hbm>>
    %dma_wait3A_153 = arith.constant 49 : i32
    %dma_wait3A_154 = arith.constant 0 : i32
    %dma_wait3A_155 = tpu.memref_slice %arg4[%dma_wait3A_153, %dma_wait3A_154, %mul3A_2] : memref<50x64x4096xf32, #tpu.memory_space<hbm>> -> memref<1x64x128xf32, #tpu.memory_space<hbm>>
    %dma_wait3A_156 = arith.constant 0 : i32
    %dma_wait3A_157 = arith.constant 0 : i32
    %dma_wait3A_158 = arith.constant 0 : i32
    %dma_wait3A_159 = tpu.memref_slice %arg7[%dma_wait3A_144, %dma_wait3A_156, %dma_wait3A_157, %dma_wait3A_158] : memref<2x1x64x128xf32, #tpu.memory_space<vmem>> -> memref<1x1x64x128xf32, #tpu.memory_space<vmem>>
    %dma_wait3A_160 = tpu.memref_squeeze %dma_wait3A_159 : memref<1x1x64x128xf32, #tpu.memory_space<vmem>> -> memref<1x64x128xf32, #tpu.memory_space<vmem>>
    tpu.wait_dma2 semaphore(%arg9 : memref<!tpu.dma_semaphore, #tpu.memory_space<semaphore_mem>>) src(%dma_wait3A_160 : memref<1x64x128xf32, #tpu.memory_space<vmem>>) dst(%dma_wait3A_155 : memref<1x64x128xf32, #tpu.memory_space<hbm>>)
    return
  }
}

</mosaic_0001>

<sc_bundles>
// kernel: _gather.3.cloned.1.call-start
scs
__scs_entry_jumppad:
0x0: {  	(pc) =	sbr.rel $0x88, $3  }
0x1: {  	(tag) =	ssettag $0x0;
	lr =	simm.s32 $0x1  }
0x2: {  	[smem:$0x3F9F] =	sst lr;
	_ =	strace $0xD0000000  }
0x3: {  	_ = 	snop  }
0x4: {  	_ = 	snop  }
0x5: {  	_ = 	snop  }
0x6: {  	_ = 	snop  }
0x7: {  	_ = 	snop  }
__scs_overlays_trampoline_lowered:
0x8: {  	[smem:$0x3FAE] =	sst s0  }
0x9: {  	[smem:$0x3FAF] =	sst s1  }
0xa: {  	[smem:$0x3FB0] =	sst s2  }
0xb: {  	[smem:$0x3FB1] =	sst s3  }
0xc: {  	[smem:$0x3FB2] =	sst s4  }
0xd: {  	[smem:$0x3FB3] =	sst s5  }
0xe: {  	[smem:$0x3FB4] =	sst s6  }
0xf: {  	[smem:$0x3FB5] =	sst s7  }
0x10: {  	[smem:$0x3FB6] =	sst s8  }
0x11: {  	[smem:$0x3FB7] =	sst s9;
	s0 =	simm.s32 @!p0 $0x0  }
0x12: {  	s1 =	sld [smem:$0x3F9D];
	s0 =	simm.s32 @p0 $0x1  }
0x13: {  	[smem:$0x3FB8] =	sst s0;
	s0 =	simm.s32 @!p1 $0x0  }
0x14: {  	s2 =	sld [smem:$0x3F9C];
	s0 =	simm.s32 @p1 $0x1  }
0x15: {  	[smem:$0x3FB9] =	sst s0;
	s0 =	simm.s32 @!p2 $0x0  }
0x16: {  	s3 =	sld [smem:$0x3FDB];
	s0 =	simm.s32 @p2 $0x1  }
0x17: {  	s4 =	simm.s32 $0x1BF5;
	[smem:$0x3FBB] =	sst s0  }
0x18: {  	s0 =	sld [smem:$0x3F9E];
	_ =	swait.ge [sflag:s4], $0x0  }
0x19: {  	s7 =	sld [smem:$0x3F9F]  }
0x1a: {  	s8 =	sadd.s32 $0xFFFFE003, lr  }
0x1b: {  	s9 =	sadd.s32 $0xFFFFFEF7, lr;
	s5 =	simm.s32 $0xFFFFFFFF;
	p2 =	slt.u32 s8, $0xFFFFF086  }
0x1c: {  	p1 =	slt.u32 s9, $0xF7A;
	s5 =	simm.s32 @!p2 $0x0  }
0x1d: {  	s5 =	simm.s32 @p1 $0x1;
	p0 =	seq.s32 s7, s2  }
0x1e: {  	s7 =	smul.u32 @!p0 $0xF7A, s2;
	p2 =	seq.s32 @!p0 s5, $0x0  }
0x1f: {  	s9 =	smul.u32 $0xF7A, s1;
	s8 =	simm.s32 @!p0 $0x1BF5;
	p2 =	por !p2, p0  }
0x20: {  	[sflag:s8] =	ssyncset.s32 @!p0 $0xFFFFF086;
	s6 =	sadd.s32 @!p0 s3, s7;
	s7 =	simm.s32 @!p0 $0x108  }
0x21: {  	s3 =	sadd.s32 s3, s9;
	s6 =	sadd.s32 @!p0 $0x88, s6;
	s7 =	simm.s32 @p2 $0x1082  }
0x22: {  	[simem:s7], [sflag:s8] =	dma.local @!p0 [hbm:s6], $0xF7A  }
0x23: {  	s9 =	sor.u32 $0xD0000000, s2;
	s6 =	simm.s32 $0x108;
	_ =	swait.ge @!p0 [sflag:s8], $0x0  }
0x24: {  	s3 =	sadd.s32 $0x88, s3;
	s6 =	simm.s32 @!p1 $0x1082;
	[sflag:s4] =	ssyncset.s32 $0xFFFFF086  }
0x25: {  	[simem:s6], [sflag:s4] =	dma.local [hbm:s3], $0xF7A  }
0x26: {  	[smem:$0x3F9F] =	sst s1;
	(tag) =	ssettag s2;
	_ =	strace s9  }
0x27: {  	s1 =	sld [smem:$0x3FAF]  }
0x28: {  	s2 =	sld [smem:$0x3FB0]  }
0x29: {  	s4 =	sld [smem:$0x3FB2]  }
0x2a: {  	p0 =	seq.s32 s5, $0x0;
	s5 =	sld [smem:$0x3FB3]  }
0x2b: {  	s6 =	sld [smem:$0x3FB4]  }
0x2c: {  	s7 =	sld [smem:$0x3FB5]  }
0x2d: {  	s3 =	simm.s32 $0x108;
	s8 =	sld [smem:$0x3FB6]  }
0x2e: {  	s3 =	simm.s32 @!p0 $0x1082;
	s9 =	sld [smem:$0x3FB7]  }
0x2f: {  	lr =	sadd.s32 s0, s3;
	s0 =	sld [smem:$0x3FAE]  }
0x30: {  	s3 =	sld [smem:$0x3FB1]  }
0x31: {  	[smem:$0x3FBA] =	sst s10  }
0x32: {  	s10 =	sld [smem:$0x3FB8];
	_ =	sdelay $0x3  }
0x33: {  	p0 =	seq.s32 s10, $0x1;
	s10 =	sld [smem:$0x3FBA];
	_ =	sdelay $0x3  }
0x34: {  	[smem:$0x3FBA] =	sst s10  }
0x35: {  	s10 =	sld [smem:$0x3FB9];
	_ =	sdelay $0x3  }
0x36: {  	p1 =	seq.s32 s10, $0x1;
	s10 =	sld [smem:$0x3FBA];
	_ =	sdelay $0x3  }
0x37: {  	[smem:$0x3FBA] =	sst s10  }
0x38: {  	s10 =	sld [smem:$0x3FBB]  }
0x39: {  	_ = 	snop;
	(pc) =	sbr.ind lr, $3  }
0x3a: {  	_ = 	snop  }
0x3b: {  	_ = 	snop  }
0x3c: {  	p2 =	seq.s32 s10, $0x1;
	s10 =	sld [smem:$0x3FBA]  }
0x3d: {  	_ =	shalt  }
0x3e: {  	_ =	shalt  }
0x3f: {  	_ =	shalt  }
0x40: {  	_ =	shalt  }
0x41: {  	_ =	shalt  }
0x42: {  	_ =	shalt  }
0x43: {  	_ =	shalt  }
0x44: {  	_ =	shalt  }
0x45: {  	_ =	shalt  }
0x46: {  	_ =	shalt  }
0x47: {  	_ =	shalt  }
0x48: {  	_ =	shalt  }
0x49: {  	_ =	shalt  }
0x4a: {  	_ =	shalt  }
0x4b: {  	_ =	shalt  }
0x4c: {  	_ =	shalt  }
0x4d: {  	_ =	shalt  }
0x4e: {  	_ =	shalt  }
0x4f: {  	_ =	shalt  }
0x50: {  	_ =	shalt  }
0x51: {  	_ =	shalt  }
0x52: {  	_ =	shalt  }
0x53: {  	_ =	shalt  }
0x54: {  	_ =	shalt  }
0x55: {  	_ =	shalt  }
0x56: {  	_ =	shalt  }
0x57: {  	_ =	shalt  }
0x58: {  	_ =	shalt  }
0x59: {  	_ =	shalt  }
0x5a: {  	_ =	shalt  }
0x5b: {  	_ =	shalt  }
0x5c: {  	_ =	shalt  }
0x5d: {  	_ =	shalt  }
0x5e: {  	_ =	shalt  }
0x5f: {  	_ =	shalt  }
0x60: {  	_ =	shalt  }
0x61: {  	_ =	shalt  }
0x62: {  	_ =	shalt  }
0x63: {  	_ =	shalt  }
0x64: {  	_ =	shalt  }
0x65: {  	_ =	shalt  }
0x66: {  	_ =	shalt  }
0x67: {  	_ =	shalt  }
0x68: {  	_ =	shalt  }
0x69: {  	_ =	shalt  }
0x6a: {  	_ =	shalt  }
0x6b: {  	_ =	shalt  }
0x6c: {  	_ =	shalt  }
0x6d: {  	_ =	shalt  }
0x6e: {  	_ =	shalt  }
0x6f: {  	_ =	shalt  }
0x70: {  	_ =	shalt  }
0x71: {  	_ =	shalt  }
0x72: {  	_ =	shalt  }
0x73: {  	_ =	shalt  }
0x74: {  	_ =	shalt  }
0x75: {  	_ =	shalt  }
0x76: {  	_ =	shalt  }
0x77: {  	_ =	shalt  }
0x78: {  	_ =	shalt  }
0x79: {  	_ =	shalt  }
0x7a: {  	_ =	shalt  }
0x7b: {  	_ =	shalt  }
0x7c: {  	_ =	shalt  }
0x7d: {  	_ =	shalt  }
0x7e: {  	_ =	shalt  }
0x7f: {  	_ =	shalt  }
0x80: {  	_ =	shalt  }
0x81: {  	_ =	shalt  }
0x82: {  	_ =	shalt  }
0x83: {  	_ =	shalt  }
0x84: {  	_ =	shalt  }
0x85: {  	_ =	shalt  }
0x86: {  	_ =	shalt  }
0x87: {  	_ =	shalt  }
.Lfunc_end0:
.L_simem_size_0:
called_computation_lowered:
.L_overlay_start_0:
0x88: {  	s2 =	sld [smem:$0x3FD9]  }
0x89: {  	s3 =	sld [smem:$0x3FFE];
	_ =	sdelay $0x1  }
0x8a: {  	s1 =	srdreg.scid  }
0x8b: {  	s0 =	sand.u32 $0x1, s1  }
0x8c: {  	s18 =	sshll.u32 s0, $0xA;
	s2 =	sadd.s32 s3, s2  }
0x8d: {  	s2 =	sadd.s32 s2, s18  }
0x8e: {  	[smem:$0x3FC6] =	sst s2  }
0x8f: {  	_ = 	snop  }
0x90: {  	s2 =	sld [smem:$0x3FC9]  }
0x91: {  	s19 =	sld [smem:$0x3FC8]  }
0x92: {  	s4 =	sld [smem:$0x3FD0];
	(tm) =	ssettm $0x1  }
0x93: {  	s5 =	sld [smem:$0x3FFB];
	_ =	sdelay $0x3  }
0x94: {  	_ =	strace s5  }
0x95: {  	s5 =	sld [smem:$0x3FFC];
	_ =	sdelay $0x3  }
0x96: {  	_ =	strace s5  }
0x97: {  	s5 =	sld [smem:$0x3FFD];
	_ =	sdelay $0x3  }
0x98: {  	_ =	strace s5  }
0x99: {  	_ =	strace $0x8FFFFFFF  }
0x9a: {  	s20 =	sld [smem:$0x3FDB];
	_ =	sdelay $0x1  }
0x9b: {  	s6 =	simm.s32 $_scs_section_size  }
0x9c: {  	s7 =	simm.s32 $_size__tile_overlayer_lowered;
	s8 =	simm.s32 $_tile_overlayer_lowered  }
0x9d: {  	s23 =	simm.s32 $0x1BFF;
	s22 =	sshll.u32 s8, $0x1;
	s5 =	sadd.s32 s6, s20  }
0x9e: {  	s9 =	simm.s32 $0x0;
	s21 =	sshll.u32 s7, $0x1;
	s7 =	sadd.s32 s22, s5  }
0x9f: {  	[timem:s9], [sflag:s23] =	dma.local [hbm:s7], s21  }
0xa0: {  	_ =	swait.ge [sflag:s23], s21  }
0xa1: {  	s6 =	ssub.s32 $0x0, s21;
	[sflag:s23] =	ssyncset.done $0x0  }
0xa2: {  	[sflag:s23] =	ssyncadd.s32 s6;
	_ =	sdelay $0x1  }
0xa3: {  	s24 =	simm.s32 $0x1B8B  }
0xa4: {  	_ =	swait.ge [sflag:s24], $0x1  }
0xa5: {  	[sflag:s24] =	ssyncset.done $0x0  }
0xa6: {  	s25 =	simm.s32 $0x1B8E;
	[sflag:s24] =	ssyncadd.s32 $0xFFFFFFFF  }
0xa7: {  	s26 =	simm.s32 $execute0_lowered;
	[smem:$0x3FD2] =	sst s25  }
0xa8: {  	s6 =	sshll.u32 s26, $0x1;
	_ =	strace $0x80000046;
	[dreg:$0x1] =	wrdreg $0xFFFFFFFF  }
0xa9: {  	s28 =	simm.s32 $_size_execute0_lowered;
	s5 =	sadd.s32 s5, s6;
	[dreg:$0x0] =	wrdreg $0x0  }
0xaa: {  	s6 =	sshll.u32 s28, $0x1;
	[dreg:$0x2] =	wrdreg s5  }
0xab: {  	[dreg:$0x3] =	wrdreg s6  }
0xac: {  	[dreg:$0x4] =	wrdreg $0xC0  }
0xad: {  	_ =	task [dreg:s9], $0x5FFFF  }
0xae: {  	[dreg:$0x1] =	wrdreg $0xFFFFFFFF  }
0xaf: {  	[dreg:$0x0] =	wrdreg $0x60  }
0xb0: {  	[dreg:$0x2] =	wrdreg s2  }
0xb1: {  	[dreg:$0x3] =	wrdreg s19  }
0xb2: {  	[dreg:$0x4] =	wrdreg s4  }
0xb3: {  	[dreg:$0x5] =	wrdreg $0x9  }
0xb4: {  	_ =	task.clear_ibuf [dreg:s9], $0x6FFFF;
	_ =	strace $0x90000046  }
0xb5: {  	s29 =	simm.s32 $0x9;
	_ =	strace $0x80000048  }
0xb6: {  	_ =	swait.ge [sflag:s29], $0x1  }
0xb7: {  	[sflag:s29] =	ssyncadd.s32 $0xFFFFFFFF  }
0xb8: {  	_ =	strace $0x90000048  }
0xb9: {  	_ =	sfence  }
0xba: {  	s30 =	sld [smem:$0x0];
	_ =	sdelay $0x2  }
0xbb: {  	s31 =	sshll.u32 s1, $0xD;
	s1 =	sshrl.u32 s1, $0x2  }
0xbc: {  	s3 =	sand.u32 $0x4000, s31;
	s1 =	sadd.s32 s1, s30  }
0xbd: {  	s0 =	sor.u32 s3, s0;
	s1 =	sshll.u32 s1, $0x11  }
0xbe: {  	s0 =	sor.u32 s1, s0  }
0xbf: {  	s0 =	sadd.s32 $0x8F2B, s0  }
0xc0: {  	[sflag:s0] =	ssyncadd.remote.s32 $0x1  }
0xc1: {  	_ =	sfence.sel $0xFFFF  }
0xc2: {  	[dreg:$0x0] =	wrdreg $0xFFFFFFFF;
	(pc) =	sbr.abs _section_cstart, $3  }
0xc3: {  	[dreg:$0x1] =	wrdreg $0xFFFFFFFF  }
0xc4: {  	_ =	task.clear_ibuf [dreg:s9], $0x2FFFF;
	_ =	strace $0x9FFFFFFF  }
0xc5: {  	(tm) =	ssettm $0x7FFFFFFF  }
tec
execute0_lowered:
.L_overlay_start_1:
0x0: {  	(tag) =	ssettag $0x1  }
0x1: {  	v0 =	vimm.s32 $0xFEDCBA9;
	v1 =	vimm.s32 $0x87654321;
	v2 =	vimm.s32 $0x10FEDCBA  }
0x2: {  	v3 =	vimm.s32 $0x98765432;
	v4 =	vimm.s32 $0x210FEDCB;
	v0 =	vunpack.c.l.s4.s8 v0  }
0x3: {  	v5 =	vimm.s32 $0xA9876543;
	v1 =	vunpack.c.l.s4.s8 v1;
	v2 =	vunpack.c.l.s4.s8 v2  }
0x4: {  	v3 =	vunpack.c.l.s4.s8 v3;
	v4 =	vunpack.c.l.s4.s8 v4;
	v0 =	vunpack.c.0.s8.s32 v0  }
0x5: {  	v1 =	vunpack.c.0.s8.s32 v1;
	v8 =	vunpack.c.0.s8.s32 v2;
	v2 =	vunpack.c.l.s4.s8 v5  }
0x6: {  	v9 =	vunpack.c.0.s8.s32 v3;
	v10 =	vunpack.c.0.s8.s32 v4;
	v3 =	vimm.s32 $0x3210FEDC  }
0x7: {  	v11 =	vunpack.c.0.s8.s32 v2;
	v2 =	vunpack.c.l.s4.s8 v3;
	v3 =	vimm.s32 $0xBA987654  }
0x8: {  	v17 =	vimm.s32 $0xFEDCBA98;
	v18 =	vimm.s32 $0x76543210;
	v3 =	vunpack.c.l.s4.s8 v3  }
0x9: {  	v17 =	vunpack.c.l.s4.s8 v17;
	v4 =	vcombine.low v1, v0;
	v6 =	vcombine.low v11, v10  }
0xa: {  	v12 =	vunpack.c.0.s8.s32 v2;
	v2 =	vimm.s32 $0x43210FED;
	v13 =	vunpack.c.0.s8.s32 v3  }
0xb: {  	v7 =	vunpack.c.l.s4.s8 v2;
	v3 =	vimm.s32 $0xCBA98765;
	v2 =	vand.u32 $0xF, v4  }
0xc: {  	v4 =	vunpack.c.l.s4.s8 v3;
	v3 =	vand.u32 $0xF, v6;
	v6 =	vimm.s32 $0xDCBA9876  }
0xd: {  	v14 =	vunpack.c.0.s8.s32 v7;
	v6 =	vunpack.c.l.s4.s8 v6;
	v7 =	vimm.s32 $0x6543210F  }
0xe: {  	v15 =	vunpack.c.0.s8.s32 v4;
	v4 =	vimm.s32 $0x543210FE;
	v7 =	vunpack.c.l.s4.s8 v7  }
0xf: {  	v4 =	vunpack.c.l.s4.s8 v4;
	v20 =	vunpack.c.0.s8.s32 v6;
	v6 =	vunpack.c.l.s4.s8 v18  }
0x10: {  	v16 =	vimm.s32 $0xEDCBA987;
	v62 =	vunpack.c.0.s8.s32 v7;
	v7 =	vunpack.c.0.s8.s32 v17  }
0x11: {  	v16 =	vunpack.c.l.s4.s8 v16;
	v19 =	vunpack.c.0.s8.s32 v4;
	v6 =	vunpack.c.0.s8.s32 v6  }
0x12: {  	s6 =	rddreg [dreg:$0x0];
	v5 =	vcombine.low v9, v8;
	v7 =	vand.u32 $0xF, v7  }
0x13: {  	s0 =	rddreg [dreg:$0x1];
	v16 =	vunpack.c.0.s8.s32 v16;
	v63 =	vcombine.low v20, v19;
	v6 =	vcombine.low v7, v6  }
0x14: {  	s3 =	rddreg [dreg:$0x2];
	s4 =	simm.s32 $0x0;
	v22 =	vand.u32 $0xF, v5;
	v5 =	vcombine.low v13, v12  }
0x15: {  	s2 =	srdreg.scid;
	[smem:$0x7FF] =	sst s4;
	v0 =	vcombine.low v0, v1;
	v21 =	vcombine.low v16, v62;
	[tilespmem:$0x1FF10] =	vst v6;
	v1 =	vand.u32 $0xF, v63  }
0x16: {  	s5 =	sand.u32 $0x1, s2;
	s2 =	rddreg [dreg:$0x3];
	v12 =	vcombine.low v12, v13;
	v13 =	vcombine.low v14, v15;
	v4 =	vand.u32 $0xF, v5;
	_ =	strace $0x80000047;
	[tilespmem:$0x1FF20] =	vst v1  }
0x17: {  	v5 =	vcombine.low v15, v14;
	v15 =	vcombine.low v62, v16;
	v6 =	vand.u32 $0xF, v21;
	[tilespmem:$0x1FF30] =	vst v22  }
0x18: {  	v11 =	vcombine.low v10, v11;
	v7 =	vand.u32 $0xF, v0;
	[tilespmem:$0x1FF50] =	vst v6  }
0x19: {  	v14 =	vand.u32 $0xF, v15;
	[tilespmem:$0x1FF60] =	vst v7  }
0x1a: {  	v11 =	vand.u32 $0xF, v11;
	[tilespmem:$0x1FFA0] =	vst v14  }
0x1b: {  	[tilespmem:$0x1FFB0] =	vst v11  }
0x1c: {  	[tilespmem:$0x1FFC0] =	vst v3  }
0x1d: {  	s1 =	stileid.u32;
	s10 =	simm.s32 $0x8000;
	s11 =	simm.s32 $0x1800;
	v5 =	vand.u32 $0xF, v5;
	[tilespmem:$0x1FFD0] =	vst v4  }
0x1e: {  	s12 =	simm.s32 $0x3;
	s13 =	simm.s32 $0x80;
	s14 =	simm.s32 $0x1C00;
	[tilespmem:$0x1FFE0] =	vst v5  }
0x1f: {  	s15 =	simm.s32 $0x5C00;
	s7 =	sshll.u32 s1, $0xB;
	s8 =	sshll.u32 s5, $0xA;
	v0 =	vcombine.low v19, v20;
	v1 =	vcombine.low v8, v9;
	v9 =	vand.u32 $0xF, v12;
	[tilespmem:$0x1FFF0] =	vst v2  }
0x20: {  	s16 =	simm.s32 $0x1;
	s9 =	ssub.s32 $0x2, s5;
	s5 =	sor.u32 s8, s7;
	v12 =	vand.u32 $0xF, v13;
	[tilespmem:$0x1FF40] =	vst v9  }
0x21: {  	s17 =	simm.s32 $0x2;
	s31 =	sshrl.u32 s9, $0x1;
	s8 =	sshrl.u32 s5, $0x3;
	v13 =	vand.u32 $0xF, v0;
	[tilespmem:$0x1FF80] =	vst v12  }
0x22: {  	s18 =	simm.s32 $0x0;
	s9 =	ssub.s32 s9, s31;
	s6 =	sadd.s32 s6, s8;
	[tilespmem:$0x1FF90] =	vst v13;
	v8 =	vand.u32 $0xF, v1  }
0x23: {  	v37 =	vlaneseq.u32;
	s8 =	smax.u32 s9, $0x1;
	s9 =	simm.s32 $0x400;
	s7 =	sadd.s32 $0x6000, s6;
	[tilespmem:$0x1FF70] =	vst v8  }
.LBB2_1:
0x24: {  	[tilespmem:s4], [sflag:$0x3] =	stream.strided.gather [hbm4b:s6+s9], $0x1800, s10, s9, $0x38;
	[tilespmem:$0x11C00] =	vst v63  }
0x25: {  	_ = 	snop  }
0x26: {  	[tilespmem:s11], [sflag:$0x3] =	stream.linear.gather [hbm4b:s7+s4], $0x100, $0x38;
	[tilespmem:$0x11C00] =	vst v63  }
0x27: {  	_ =	swait.ge [sflag:s12], $0x1900  }
0x28: {  	[sflag:s12] =	ssyncset.done $0x0  }
0x29: {  	[sflag:s12] =	ssyncadd.s32 $0xFFFFE700  }
0x2a: {  	[tilespmem:s14], [sflag:$0x1] =	stream.indirect.gather [hbm4b:s0+s13], $0x80, s4, s13, $0xb8;
	[tilespmem:$0x11C00] =	vst v63  }
0x2b: {  	s19 =	simm.s32 $0x0  }
0x2c: {  	v27 =	vld [tilespmem:$0x1FF10];
	[tilespmem:s15], [sflag:$0x1] =	stream.indirect.gather [hbm4b:s0+s13], $0x80, s13, s13, $0xb8  }
.LBB2_2:
0x2d: {  	p0 =	sgt.u32 s19, $0x2F  }
0x2e: {  	s20 =	sadd.s32 @!p0 $0x2, s19  }
0x2f: {  	s21 =	smul.u32 @!p0 $0xAB, s20;
	_ =	sdelay $0x1  }
0x30: {  	s21 =	sshrl.u32 @!p0 s21, $0x9  }
0x31: {  	s21 =	sand.u32 @!p0 $0x7F, s21  }
0x32: {  	s21 =	smul.u32 @!p0 $0x3, s21;
	_ =	sdelay $0x1  }
0x33: {  	s21 =	ssub.s32 @!p0 s20, s21  }
0x34: {  	s22 =	smul.u32 $0xAB, s19;
	s21 =	sand.u32 @!p0 $0xFF, s21  }
0x35: {  	s26 =	simm.s32 $0x0;
	s20 =	sshll.u32 @!p0 s20, $0x7;
	s21 =	sshll.u32 @!p0 s21, $0xE  }
0x36: {  	s23 =	simm.s32 @!p0 $0x80;
	s20 =	sand.u32 @!p0 $0x3FFFFF80, s20;
	s21 =	sor.u32 @!p0 $0x1C00, s21  }
0x37: {  	[tilespmem:s21], [sflag:$0x1] =	stream.indirect.gather @!p0 [hbm4b:s0+s23], $0x80, s20, s23, $0xb8;
	[tilespmem:$0x11C00] =	vst v63  }
0x38: {  	s29 =	sand.u32 $0x20, s26;
	s28 =	sshrl.u32 s22, $0x9;
	s20 =	sand.u32 $0x70, s26  }
0x39: {  	s24 =	sor.u32 $0x10, s29;
	s21 =	sand.u32 $0x7F, s28;
	v34 =	vor.u32 s20, v37  }
0x3a: {  	v0 =	vor.u32 s24, v37;
	s30 =	smul.u32 $0x3, s21;
	_ =	swait.ge [sflag:s16], $0x4000;
	v35 =	vshll.u32 v34, $0x7  }
0x3b: {  	v16 =	vor.u32 s29, v37;
	p0 =	slt.u32 s19, $0x2;
	[sflag:s16] =	ssyncset.done $0x0;
	v1 =	vor.u32 v0, v35  }
0x3c: {  	s21 =	simm.s32 @!p0 $0x2;
	s20 =	ssub.s32 s19, s30;
	[sflag:s16] =	ssyncadd.s32 $0xFFFFC000;
	v17 =	vor.u32 v16, v35  }
0x3d: {  	s20 =	sand.u32 $0xFF, s20;
	_ =	swait.ge @!p0 [sflag:s21], $0x2000  }
0x3e: {  	[sflag:s21] =	ssyncset.done @!p0 $0x0;
	s20 =	sshll.u32 s20, $0xE  }
0x3f: {  	v0 =	vshll.u32 v0, $0x7;
	[sflag:s21] =	ssyncadd.s32 @!p0 $0xFFFFE000;
	s20 =	sor.u32 $0x1C00, s20  }
0x40: {  	v18 =	vor.u32 s24, v2;
	v16 =	vshll.u32 v16, $0x7;
	v0 =	vor.u32 v34, v0;
	v1 =	vld.idx.msk [tilespmem:v1+s20+$0x0], $0xffff  }
0x41: {  	v20 =	vor.u32 s29, v2;
	v19 =	vor.u32 v18, v35;
	v16 =	vor.u32 v34, v16;
	v17 =	vld.idx.msk [tilespmem:v17+s20+$0x0], $0xffff  }
0x42: {  	s31 =	sshll.u32 s19, $0xD;
	v21 =	vor.u32 v20, v35  }
0x43: {  	s21 =	sand.u32 $0x2000, s31  }
0x44: {  	s21 =	sor.u32 $0xDC00, s21  }
0x45: {  	[tilespmem:v0+s21+$0x0] =	vst.idx.msk $0xffff, v1;
	v0 =	vshll.u32 v18, $0x7  }
0x46: {  	v20 =	vshll.u32 v20, $0x7;
	v18 =	vor.u32 s24, v22;
	[tilespmem:v16+s21+$0x0] =	vst.idx.msk $0xffff, v17;
	v1 =	vld.idx.msk [tilespmem:v19+s20+$0x0], $0xffff;
	v0 =	vor.u32 v34, v0  }
0x47: {  	v16 =	vor.u32 v34, v20;
	v19 =	vor.u32 v18, v35;
	v21 =	vld.idx.msk [tilespmem:v21+s20+$0x0], $0xffff  }
0x48: {  	v15 =	vmov v22;
	v22 =	vor.u32 s29, v22  }
0x49: {  	v17 =	vshll.u32 v22, $0x7;
	v22 =	vor.u32 v22, v35  }
0x4a: {  	v20 =	vor.u32 s29, v3  }
0x4b: {  	v23 =	vshll.u32 v20, $0x7;
	v20 =	vor.u32 v20, v35;
	[tilespmem:v0+s21+$0x0] =	vst.idx.msk $0xffff, v1  }
0x4c: {  	v42 =	vor.u32 s24, v5;
	v17 =	vor.u32 v34, v17;
	v0 =	vshll.u32 v18, $0x7;
	[tilespmem:v16+s21+$0x0] =	vst.idx.msk $0xffff, v21;
	v18 =	vld.idx.msk [tilespmem:v19+s20+$0x0], $0xffff  }
0x4d: {  	v28 =	vor.u32 v34, v23;
	v23 =	vor.u32 s29, v5;
	v0 =	vor.u32 v34, v0;
	v10 =	vld [tilespmem:$0x1FF20]  }
0x4e: {  	v30 =	vor.u32 v23, v35;
	v1 =	vor.u32 s29, v4;
	v19 =	vor.u32 s24, v3;
	v21 =	vld.idx.msk [tilespmem:v22+s20+$0x0], $0xffff  }
0x4f: {  	v24 =	vshll.u32 v1, $0x7;
	v1 =	vor.u32 v1, v35;
	v25 =	vor.u32 v19, v35  }
0x50: {  	v22 =	vor.u32 s29, v6;
	v29 =	vor.u32 v34, v24;
	v24 =	vshll.u32 v23, $0x7  }
0x51: {  	v41 =	vor.u32 v22, v35;
	v23 =	vor.u32 s29, v7;
	v31 =	vor.u32 v34, v24  }
0x52: {  	v16 =	vor.u32 s29, v10;
	[tilespmem:v0+s21+$0x0] =	vst.idx.msk $0xffff, v18;
	v0 =	vshll.u32 v19, $0x7;
	v19 =	vor.u32 s24, v4  }
0x53: {  	[tilespmem:v17+s21+$0x0] =	vst.idx.msk $0xffff, v21;
	v17 =	vor.u32 s29, v8;
	v32 =	vor.u32 v16, v35;
	v16 =	vshll.u32 v16, $0x7  }
0x54: {  	v18 =	vld.idx.msk [tilespmem:v25+s20+$0x0], $0xffff;
	v0 =	vor.u32 v34, v0;
	v36 =	vor.u32 v19, v35;
	v25 =	vor.u32 v23, v35  }
0x55: {  	v33 =	vor.u32 v34, v16;
	v16 =	vshll.u32 v22, $0x7;
	v22 =	vor.u32 s29, v27  }
0x56: {  	v38 =	vmovc v27;
	v20 =	vld.idx.msk [tilespmem:v20+s20+$0x0], $0xffff;
	v21 =	vor.u32 v17, v35;
	v27 =	vor.u32 v34, v16;
	v16 =	vshll.u32 v22, $0x7  }
0x57: {  	v26 =	vor.u32 v22, v35;
	v24 =	vor.u32 v34, v16;
	v16 =	vshll.u32 v23, $0x7  }
0x58: {  	v22 =	vor.u32 v34, v16;
	v16 =	vshll.u32 v17, $0x7;
	v17 =	vor.u32 s29, v11  }
0x59: {  	[tilespmem:v0+s21+$0x0] =	vst.idx.msk $0xffff, v18;
	v18 =	vor.u32 s29, v9;
	v23 =	vor.u32 v34, v16;
	v16 =	vshll.u32 v17, $0x7  }
0x5a: {  	v0 =	vshll.u32 v19, $0x7;
	v39 =	vor.u32 v34, v16;
	v16 =	vshll.u32 v18, $0x7  }
0x5b: {  	[tilespmem:v28+s21+$0x0] =	vst.idx.msk $0xffff, v20;
	v19 =	vld.idx.msk [tilespmem:v36+s20+$0x0], $0xffff;
	v0 =	vor.u32 v34, v0;
	v16 =	vor.u32 v34, v16  }
0x5c: {  	v60 =	vor.u32 s24, v6;
	s23 =	simm.s32 $0x20;
	v43 =	vor.u32 v42, v35;
	[tilespmem:$0x1FEC0] =	vst v16;
	v16 =	vor.u32 s29, v12  }
0x5d: {  	s26 =	sand.u32 $0x20, s23;
	v40 =	vor.u32 v17, v35;
	v1 =	vld.idx.msk [tilespmem:v1+s20+$0x0], $0xffff;
	v17 =	vor.u32 v16, v35;
	v16 =	vshll.u32 v16, $0x7  }
0x5e: {  	v46 =	vor.u32 s26, v2;
	v52 =	vor.u32 s26, v3;
	[tilespmem:$0x1FED0] =	vst v17;
	v16 =	vor.u32 v34, v16  }
0x5f: {  	v61 =	vor.u32 s26, v4;
	v53 =	vor.u32 s26, v5;
	v17 =	vor.u32 s29, v13;
	[tilespmem:$0x1FEE0] =	vst v16  }
0x60: {  	s25 =	simm.s32 $0x8;
	v16 =	vshll.u32 v17, $0x7;
	v17 =	vor.u32 v17, v35;
	[tilespmem:v0+s21+$0x0] =	vst.idx.msk $0xffff, v19;
	v0 =	vshll.u32 v42, $0x7  }
0x61: {  	s28 =	sand.u32 $0x70, s25;
	s22 =	sor.u32 $0x10, s26;
	v58 =	vshll.u32 v46, $0x7;
	v57 =	vor.u32 s24, v10;
	v28 =	vld.idx.msk [tilespmem:v43+s20+$0x0], $0xffff;
	v0 =	vor.u32 v34, v0;
	[tilespmem:$0x1FF00] =	vst v17  }
0x62: {  	v50 =	vor.u32 s22, v2;
	v45 =	vor.u32 v57, v35;
	v17 =	vor.u32 s28, v37;
	[tilespmem:v29+s21+$0x0] =	vst.idx.msk $0xffff, v1  }
0x63: {  	v62 =	vshll.u32 v61, $0x7;
	v20 =	vshll.u32 v17, $0x7;
	v29 =	vor.u32 s22, v37;
	v1 =	vld.idx.msk [tilespmem:v30+s20+$0x0], $0xffff  }
0x64: {  	v44 =	vor.u32 v18, v35;
	v30 =	vor.u32 s26, v37;
	v47 =	vor.u32 v29, v20  }
0x65: {  	v18 =	vor.u32 s29, v14;
	v16 =	vor.u32 v34, v16;
	v48 =	vor.u32 v30, v20  }
0x66: {  	v19 =	vshll.u32 v18, $0x7;
	v30 =	vshll.u32 v30, $0x7;
	[tilespmem:v0+s21+$0x0] =	vst.idx.msk $0xffff, v28;
	v0 =	vshll.u32 v57, $0x7  }
0x67: {  	v18 =	vor.u32 v18, v35;
	v28 =	vor.u32 v17, v30;
	v30 =	vld.idx.msk [tilespmem:v45+s20+$0x0], $0xffff;
	v0 =	vor.u32 v34, v0  }
0x68: {  	v43 =	vor.u32 v17, v58;
	v29 =	vshll.u32 v29, $0x7;
	[tilespmem:v31+s21+$0x0] =	vst.idx.msk $0xffff, v1;
	v31 =	vor.u32 v60, v35  }
0x69: {  	v59 =	vor.u32 v46, v20;
	v51 =	vor.u32 v50, v20;
	v29 =	vor.u32 v17, v29;
	v47 =	vld.idx.msk [tilespmem:v47+s20+$0x0], $0xffff  }
0x6a: {  	v55 =	vor.u32 v52, v20;
	v46 =	vor.u32 s24, v38;
	v50 =	vshll.u32 v50, $0x7;
	v48 =	vld.idx.msk [tilespmem:v48+s20+$0x0], $0xffff  }
0x6b: {  	v56 =	vor.u32 v53, v20;
	v50 =	vor.u32 v17, v50;
	v1 =	vor.u32 s26, v15;
	v32 =	vld.idx.msk [tilespmem:v32+s20+$0x0], $0xffff  }
0x6c: {  	v49 =	vor.u32 v1, v20;
	v1 =	vshll.u32 v1, $0x7;
	[tilespmem:v0+s21+$0x0] =	vst.idx.msk $0xffff, v30;
	v30 =	vshll.u32 v60, $0x7  }
0x6d: {  	v1 =	vor.u32 v17, v1;
	v0 =	vshll.u32 v52, $0x7;
	v30 =	vor.u32 v34, v30;
	v31 =	vld.idx.msk [tilespmem:v31+s20+$0x0], $0xffff  }
0x6e: {  	v36 =	vor.u32 s22, v15;
	v0 =	vor.u32 v17, v0;
	[tilespmem:v29+s21+$0x0] =	vst.idx.msk $0xffff, v47;
	v29 =	vor.u32 v46, v35  }
0x6f: {  	v60 =	vshll.u32 v53, $0x7;
	v47 =	vor.u32 v61, v20;
	v46 =	vshll.u32 v46, $0x7;
	v63 =	vld.idx.msk [tilespmem:v51+s20+$0x0], $0xffff;
	[tilespmem:v28+s21+$0x0] =	vst.idx.msk $0xffff, v48  }
0x70: {  	v57 =	vor.u32 v17, v60;
	[tilespmem:v33+s21+$0x0] =	vst.idx.msk $0xffff, v32;
	v28 =	vor.u32 v36, v20;
	v42 =	vld.idx.msk [tilespmem:v59+s20+$0x0], $0xffff  }
0x71: {  	v61 =	vor.u32 s24, v7;
	v60 =	vor.u32 s26, v7;
	v48 =	vor.u32 v17, v62;
	v41 =	vld.idx.msk [tilespmem:v41+s20+$0x0], $0xffff  }
0x72: {  	v33 =	vor.u32 v61, v35;
	v62 =	vor.u32 s26, v6;
	[tilespmem:v30+s21+$0x0] =	vst.idx.msk $0xffff, v31;
	v30 =	vor.u32 s26, v10  }
0x73: {  	v31 =	vor.u32 v34, v46;
	v29 =	vld.idx.msk [tilespmem:v29+s20+$0x0], $0xffff;
	v58 =	vor.u32 v30, v20;
	v30 =	vshll.u32 v30, $0x7  }
0x74: {  	v45 =	vor.u32 v62, v20;
	[tilespmem:v50+s21+$0x0] =	vst.idx.msk $0xffff, v63;
	v46 =	vor.u32 v17, v30;
	v30 =	vshll.u32 v36, $0x7  }
0x75: {  	v61 =	vshll.u32 v61, $0x7;
	v54 =	vshll.u32 v62, $0x7;
	v28 =	vld.idx.msk [tilespmem:v28+s20+$0x0], $0xffff;
	[tilespmem:v43+s21+$0x0] =	vst.idx.msk $0xffff, v42;
	v30 =	vor.u32 v17, v30  }
0x76: {  	v59 =	vor.u32 s26, v38;
	v62 =	vshll.u32 v60, $0x7;
	v63 =	vor.u32 s22, v3;
	[tilespmem:v27+s21+$0x0] =	vst.idx.msk $0xffff, v41;
	v27 =	vld.idx.msk [tilespmem:v49+s20+$0x0], $0xffff  }
0x77: {  	v53 =	vor.u32 v17, v62;
	v36 =	vor.u32 v63, v20;
	v43 =	vor.u32 v17, v54  }
0x78: {  	v41 =	vor.u32 v59, v20;
	v54 =	vor.u32 v60, v20;
	v26 =	vld.idx.msk [tilespmem:v26+s20+$0x0], $0xffff;
	[tilespmem:v31+s21+$0x0] =	vst.idx.msk $0xffff, v29  }
0x79: {  	v49 =	vshll.u32 v59, $0x7;
	v29 =	vor.u32 v34, v61;
	v31 =	vor.u32 s24, v8;
	v33 =	vld.idx.msk [tilespmem:v33+s20+$0x0], $0xffff  }
0x7a: {  	v42 =	vmovc v38;
	[tilespmem:v30+s21+$0x0] =	vst.idx.msk $0xffff, v28;
	v30 =	vor.u32 v31, v35;
	v28 =	vshll.u32 v63, $0x7;
	v63 =	vor.u32 s26, v8  }
0x7b: {  	v51 =	vor.u32 v17, v49;
	[tilespmem:v1+s21+$0x0] =	vst.idx.msk $0xffff, v27;
	v1 =	vor.u32 s22, v4;
	v27 =	vor.u32 v63, v20  }
0x7c: {  	v32 =	vld.idx.msk [tilespmem:v36+s20+$0x0], $0xffff;
	v59 =	vor.u32 v17, v28;
	v38 =	vor.u32 v1, v20;
	v1 =	vshll.u32 v1, $0x7;
	[tilespmem:$0x1FEF0] =	vst v27  }
0x7d: {  	v52 =	vor.u32 s26, v9;
	v1 =	vor.u32 v17, v1;
	v36 =	vld.idx.msk [tilespmem:v55+s20+$0x0], $0xffff;
	[tilespmem:v24+s21+$0x0] =	vst.idx.msk $0xffff, v26;
	v24 =	vshll.u32 v63, $0x7  }
0x7e: {  	v27 =	vor.u32 s26, v11;
	v60 =	vld.idx.msk [tilespmem:v25+s20+$0x0], $0xffff;
	v26 =	vor.u32 v17, v24;
	v24 =	vshll.u32 v31, $0x7;
	[tilespmem:v29+s21+$0x0] =	vst.idx.msk $0xffff, v33  }
0x7f: {  	v28 =	vor.u32 v27, v20;
	v25 =	vshll.u32 v27, $0x7;
	v24 =	vor.u32 v34, v24;
	v29 =	vld.idx.msk [tilespmem:v30+s20+$0x0], $0xffff  }
0x80: {  	v31 =	vor.u32 s24, v11;
	v27 =	vor.u32 v17, v25;
	v25 =	vshll.u32 v52, $0x7  }
0x81: {  	v49 =	vor.u32 s22, v5;
	v33 =	vor.u32 v31, v35;
	[tilespmem:v59+s21+$0x0] =	vst.idx.msk $0xffff, v32;
	v30 =	vor.u32 v17, v25  }
0x82: {  	s29 =	simm.s32 $0x40;
	[tilespmem:v0+s21+$0x0] =	vst.idx.msk $0xffff, v36;
	v0 =	vor.u32 s26, v12;
	v36 =	vld.idx.msk [tilespmem:v38+s20+$0x0], $0xffff;
	v38 =	vor.u32 v49, v20  }
0x83: {  	s30 =	sand.u32 $0x20, s29;
	v25 =	vor.u32 v0, v20;
	[tilespmem:v22+s21+$0x0] =	vst.idx.msk $0xffff, v60;
	v0 =	vshll.u32 v0, $0x7;
	v22 =	vor.u32 s26, v13  }
0x84: {  	s23 =	sor.u32 $0x10, s30;
	v62 =	vor.u32 s24, v9;
	v47 =	vld.idx.msk [tilespmem:v47+s20+$0x0], $0xffff;
	[tilespmem:v24+s21+$0x0] =	vst.idx.msk $0xffff, v29;
	v24 =	vor.u32 v17, v0;
	v0 =	vshll.u32 v22, $0x7  }
0x85: {  	v63 =	vor.u32 v62, v35;
	v55 =	vor.u32 s23, v37;
	v60 =	vld.idx.msk [tilespmem:v21+s20+$0x0], $0xffff;
	v0 =	vor.u32 v17, v0  }
0x86: {  	v32 =	vor.u32 v52, v20;
	v52 =	vor.u32 s26, v14;
	v21 =	vshll.u32 v31, $0x7;
	v31 =	vld.idx.msk [tilespmem:v33+s20+$0x0], $0xffff;
	[tilespmem:$0x1FEA0] =	vst v0  }
0x87: {  	v61 =	vor.u32 v34, v21;
	v0 =	vshll.u32 v52, $0x7;
	[tilespmem:v1+s21+$0x0] =	vst.idx.msk $0xffff, v36;
	v1 =	vor.u32 v52, v20  }
0x88: {  	v59 =	vor.u32 s30, v2;
	v33 =	vor.u32 v17, v0;
	v0 =	vshll.u32 v49, $0x7;
	[tilespmem:$0x1FEB0] =	vst v1  }
0x89: {  	s26 =	simm.s32 $0x10;
	v36 =	vor.u32 s30, v37;
	v0 =	vor.u32 v17, v0;
	v1 =	vld.idx.msk [tilespmem:v38+s20+$0x0], $0xffff;
	[tilespmem:v48+s21+$0x0] =	vst.idx.msk $0xffff, v47;
	v47 =	vor.u32 s22, v10  }
0x8a: {  	s31 =	sand.u32 $0x70, s26;
	v52 =	vshll.u32 v59, $0x7;
	v50 =	vshll.u32 v36, $0x7;
	v49 =	vor.u32 v47, v20  }
0x8b: {  	[tilespmem:v23+s21+$0x0] =	vst.idx.msk $0xffff, v60;
	v23 =	vor.u32 s31, v37;
	v38 =	vshll.u32 v62, $0x7;
	v62 =	vor.u32 s24, v12;
	v48 =	vld.idx.msk [tilespmem:v56+s20+$0x0], $0xffff  }
0x8c: {  	[tilespmem:v61+s21+$0x0] =	vst.idx.msk $0xffff, v31;
	v31 =	vshll.u32 v23, $0x7;
	v56 =	vor.u32 v34, v38;
	v40 =	vld.idx.msk [tilespmem:v40+s20+$0x0], $0xffff;
	v47 =	vshll.u32 v47, $0x7  }
0x8d: {  	v38 =	vshll.u32 v62, $0x7;
	v60 =	vld.idx.msk [tilespmem:v63+s20+$0x0], $0xffff;
	v61 =	vor.u32 v55, v31;
	v63 =	vor.u32 v36, v31  }
0x8e: {  	v36 =	vor.u32 v23, v50;
	v55 =	vshll.u32 v55, $0x7;
	[tilespmem:v0+s21+$0x0] =	vst.idx.msk $0xffff, v1;
	v0 =	vor.u32 v62, v35  }
0x8f: {  	v47 =	vor.u32 v17, v47;
	v55 =	vor.u32 v23, v55;
	v62 =	vor.u32 s23, v2;
	v49 =	vld.idx.msk [tilespmem:v49+s20+$0x0], $0xffff  }
0x90: {  	[tilespmem:v57+s21+$0x0] =	vst.idx.msk $0xffff, v48;
	v48 =	vor.u32 v59, v31;
	v57 =	vor.u32 s22, v6;
	v59 =	vor.u32 v23, v52  }
0x91: {  	[tilespmem:v39+s21+$0x0] =	vst.idx.msk $0xffff, v40;
	v39 =	vor.u32 v34, v38;
	v50 =	vld.idx.msk [tilespmem:v58+s20+$0x0], $0xffff;
	v1 =	vor.u32 v57, v20  }
0x92: {  	v37 =	vor.u32 s30, v15;
	v40 =	vor.u32 v62, v31;
	v52 =	vor.u32 s30, v3;
	[tilespmem:v56+s21+$0x0] =	vst.idx.msk $0xffff, v60;
	v60 =	vld.idx.msk [tilespmem:v61+s20+$0x0], $0xffff  }
0x93: {  	v62 =	vshll.u32 v62, $0x7;
	v56 =	vor.u32 v37, v31;
	v58 =	vshll.u32 v37, $0x7;
	v0 =	vld.idx.msk [tilespmem:v0+s20+$0x0], $0xffff  }
0x94: {  	v61 =	vor.u32 s24, v13;
	v57 =	vshll.u32 v57, $0x7;
	v38 =	vor.u32 v52, v31;
	[tilespmem:v47+s21+$0x0] =	vst.idx.msk $0xffff, v49;
	v47 =	vld.idx.msk [tilespmem:v63+s20+$0x0], $0xffff  }
0x95: {  	v52 =	vshll.u32 v52, $0x7;
	v63 =	vor.u32 v61, v35;
	v49 =	vor.u32 v17, v57  }
0x96: {  	v57 =	vor.u32 v23, v52;
	v61 =	vshll.u32 v61, $0x7;
	[tilespmem:v46+s21+$0x0] =	vst.idx.msk $0xffff, v50;
	v1 =	vld.idx.msk [tilespmem:v1+s20+$0x0], $0xffff;
	v46 =	vor.u32 s22, v42  }
0x97: {  	[tilespmem:v55+s21+$0x0] =	vst.idx.msk $0xffff, v60;
	v50 =	vor.u32 s30, v4;
	v55 =	vor.u32 s30, v5;
	v61 =	vor.u32 v34, v61  }
0x98: {  	v45 =	vld.idx.msk [tilespmem:v45+s20+$0x0], $0xffff;
	v52 =	vor.u32 v50, v31;
	[tilespmem:v39+s21+$0x0] =	vst.idx.msk $0xffff, v0;
	v0 =	vor.u32 v46, v20  }
0x99: {  	v40 =	vld.idx.msk [tilespmem:v40+s20+$0x0], $0xffff;
	v50 =	vshll.u32 v50, $0x7;
	v60 =	vshll.u32 v55, $0x7;
	v39 =	vor.u32 v23, v62;
	[tilespmem:v36+s21+$0x0] =	vst.idx.msk $0xffff, v47  }
0x9a: {  	v36 =	vor.u32 s23, v15;
	v47 =	vld.idx.msk [tilespmem:v63+s20+$0x0], $0xffff;
	v63 =	vor.u32 v23, v50;
	v50 =	vor.u32 v55, v31  }
0x9b: {  	v55 =	vor.u32 s30, v10;
	v62 =	vor.u32 v36, v31;
	[tilespmem:v49+s21+$0x0] =	vst.idx.msk $0xffff, v1;
	v1 =	vor.u32 s24, v14  }
0x9c: {  	v37 =	vld.idx.msk [tilespmem:v48+s20+$0x0], $0xffff;
	v48 =	vor.u32 v23, v60;
	v49 =	vshll.u32 v46, $0x7;
	v35 =	vor.u32 v1, v35  }
0x9d: {  	v6 =	vor.u32 s30, v6;
	v60 =	vshll.u32 v55, $0x7;
	[tilespmem:v43+s21+$0x0] =	vst.idx.msk $0xffff, v45;
	v43 =	vor.u32 v17, v49;
	v0 =	vld.idx.msk [tilespmem:v0+s20+$0x0], $0xffff  }
0x9e: {  	v36 =	vshll.u32 v36, $0x7;
	v49 =	vor.u32 v55, v31;
	v45 =	vshll.u32 v6, $0x7;
	[tilespmem:v39+s21+$0x0] =	vst.idx.msk $0xffff, v40;
	v40 =	vld.idx.msk [tilespmem:v44+s20+$0x0], $0xffff  }
0x9f: {  	v39 =	vor.u32 s22, v7;
	[tilespmem:v61+s21+$0x0] =	vst.idx.msk $0xffff, v47;
	v47 =	vor.u32 v6, v31;
	v6 =	vor.u32 s30, v7;
	v7 =	vld.idx.msk [tilespmem:v41+s20+$0x0], $0xffff  }
0xa0: {  	v36 =	vor.u32 v23, v36;
	v1 =	vshll.u32 v1, $0x7;
	v55 =	vor.u32 v39, v20;
	v44 =	vld.idx.msk [tilespmem:v62+s20+$0x0], $0xffff  }
0xa1: {  	v1 =	vor.u32 v34, v1;
	[tilespmem:v59+s21+$0x0] =	vst.idx.msk $0xffff, v37;
	v59 =	vor.u32 s23, v3;
	v35 =	vld.idx.msk [tilespmem:v35+s20+$0x0], $0xffff  }
0xa2: {  	v19 =	vor.u32 v34, v19;
	v34 =	vld.idx.msk [tilespmem:v56+s20+$0x0], $0xffff;
	v56 =	vor.u32 v59, v31;
	[tilespmem:v43+s21+$0x0] =	vst.idx.msk $0xffff, v0  }
0xa3: {  	v2 =	vld [tilespmem:$0x1FEC0]  }
0xa4: {  	v58 =	vor.u32 v23, v58;
	v39 =	vshll.u32 v39, $0x7;
	v0 =	vor.u32 s30, v42  }
0xa5: {  	v62 =	vor.u32 v17, v39;
	v37 =	vor.u32 v0, v31;
	v55 =	vld.idx.msk [tilespmem:v55+s20+$0x0], $0xffff;
	[tilespmem:v36+s21+$0x0] =	vst.idx.msk $0xffff, v44  }
0xa6: {  	v0 =	vshll.u32 v0, $0x7;
	v36 =	vor.u32 s22, v8;
	[tilespmem:v1+s21+$0x0] =	vst.idx.msk $0xffff, v35;
	v1 =	vshll.u32 v59, $0x7  }
0xa7: {  	v39 =	vor.u32 v23, v0;
	v0 =	vor.u32 v36, v20;
	v56 =	vld.idx.msk [tilespmem:v56+s20+$0x0], $0xffff;
	v1 =	vor.u32 v23, v1  }
0xa8: {  	[tilespmem:v51+s21+$0x0] =	vst.idx.msk $0xffff, v7  }
0xa9: {  	[tilespmem:v58+s21+$0x0] =	vst.idx.msk $0xffff, v34  }
0xaa: {  	v35 =	vld.idx.msk [tilespmem:v38+s20+$0x0], $0xffff;
	[tilespmem:v62+s21+$0x0] =	vst.idx.msk $0xffff, v55  }
0xab: {  	v61 =	vld.idx.msk [tilespmem:v54+s20+$0x0], $0xffff;
	v36 =	vshll.u32 v36, $0x7;
	[tilespmem:v2+s21+$0x0] =	vst.idx.msk $0xffff, v40  }
0xac: {  	v62 =	vld.idx.msk [tilespmem:v0+s20+$0x0], $0xffff;
	v0 =	vor.u32 v17, v36;
	[tilespmem:v1+s21+$0x0] =	vst.idx.msk $0xffff, v56  }
0xad: {  	v2 =	vld [tilespmem:$0x1FED0];
	_ =	sdelay $0x1  }
0xae: {  	[tilespmem:v57+s21+$0x0] =	vst.idx.msk $0xffff, v35  }
0xaf: {  	v34 =	vor.u32 s23, v4;
	[tilespmem:v53+s21+$0x0] =	vst.idx.msk $0xffff, v61  }
0xb0: {  	v58 =	vor.u32 v34, v31;
	[tilespmem:v0+s21+$0x0] =	vst.idx.msk $0xffff, v62  }
0xb1: {  	v0 =	vld [tilespmem:$0x1FEE0];
	_ =	sdelay $0x2  }
0xb2: {  	v46 =	vor.u32 v23, v60;
	v60 =	vshll.u32 v6, $0x7;
	v34 =	vshll.u32 v34, $0x7;
	v56 =	vld.idx.msk [tilespmem:v2+s20+$0x0], $0xffff  }
0xb3: {  	v41 =	vor.u32 v23, v60;
	v60 =	vor.u32 v23, v34;
	v58 =	vld.idx.msk [tilespmem:v58+s20+$0x0], $0xffff;
	_ =	sdelay $0x2  }
0xb4: {  	v29 =	vor.u32 v22, v20;
	v12 =	vor.u32 s30, v12;
	v13 =	vor.u32 s30, v13  }
0xb5: {  	v45 =	vor.u32 v23, v45;
	v51 =	vor.u32 s30, v11;
	v1 =	vor.u32 s22, v11;
	[tilespmem:v0+s21+$0x0] =	vst.idx.msk $0xffff, v56  }
0xb6: {  	v54 =	vor.u32 v51, v31;
	v57 =	vor.u32 v1, v20;
	v1 =	vshll.u32 v1, $0x7;
	v2 =	vld [tilespmem:$0x1FEF0];
	[tilespmem:v60+s21+$0x0] =	vst.idx.msk $0xffff, v58  }
0xb7: {  	v44 =	vor.u32 s23, v5;
	v4 =	vor.u32 s30, v9;
	v61 =	vor.u32 v17, v1;
	v1 =	vld [tilespmem:$0x1FF00]  }
0xb8: {  	v38 =	vor.u32 v4, v31;
	v36 =	vor.u32 v12, v31;
	v12 =	vshll.u32 v12, $0x7  }
0xb9: {  	v40 =	vor.u32 v6, v31;
	v6 =	vor.u32 s30, v8;
	v34 =	vor.u32 v23, v12  }
0xba: {  	v43 =	vor.u32 v6, v31;
	v7 =	vshll.u32 v6, $0x7;
	v6 =	vshll.u32 v51, $0x7;
	v52 =	vld.idx.msk [tilespmem:v52+s20+$0x0], $0xffff  }
0xbb: {  	v55 =	vor.u32 v23, v7;
	v7 =	vshll.u32 v4, $0x7;
	v4 =	vor.u32 v44, v31  }
0xbc: {  	v51 =	vor.u32 v23, v6;
	v44 =	vshll.u32 v44, $0x7;
	v35 =	vor.u32 v23, v7  }
0xbd: {  	v59 =	vld.idx.msk [tilespmem:v57+s20+$0x0], $0xffff;
	v57 =	vor.u32 v13, v31;
	v0 =	vor.u32 s30, v14;
	v14 =	vshll.u32 v13, $0x7  }
0xbe: {  	v3 =	vmovc v42;
	v60 =	vor.u32 s22, v9;
	v53 =	vor.u32 v23, v14;
	v58 =	vor.u32 s23, v10;
	v62 =	vld.idx.msk [tilespmem:v2+s20+$0x0], $0xffff  }
0xbf: {  	v9 =	vmov v3;
	[tilespmem:v63+s21+$0x0] =	vst.idx.msk $0xffff, v52;
	v63 =	vor.u32 v60, v20;
	v56 =	vld.idx.msk [tilespmem:v1+s20+$0x0], $0xffff;
	v1 =	vshll.u32 v0, $0x7  }
0xc0: {  	s25 =	simm.s32 $0x60;
	s26 =	simm.s32 $0x18;
	s24 =	simm.s32 $0x4;
	v52 =	vor.u32 v0, v31;
	v0 =	vld.idx.msk [tilespmem:v4+s20+$0x0], $0xffff;
	v42 =	vor.u32 v23, v1;
	v1 =	vor.u32 v23, v44  }
.LBB2_3:
0xc1: {  	v50 =	vld.idx.msk [tilespmem:v50+s20+$0x0], $0xffff  }
0xc2: {  	v6 =	vld [tilespmem:$0x1FFF0]  }
0xc3: {  	v14 =	vld [tilespmem:$0x1FF80]  }
0xc4: {  	v13 =	vld [tilespmem:$0x1FEB0]  }
0xc5: {  	v11 =	vld [tilespmem:$0x1FF50]  }
0xc6: {  	[tilespmem:v61+s21+$0x0] =	vst.idx.msk $0xffff, v59;
	v15 =	vld [tilespmem:$0x1FF90]  }
0xc7: {  	v61 =	vld.idx.msk [tilespmem:v63+s20+$0x0], $0xffff  }
0xc8: {  	s28 =	sand.u32 $0x20, s25;
	s29 =	sand.u32 $0x70, s26;
	v2 =	vor.u32 v58, v31;
	v4 =	vlaneseq.u32;
	v63 =	vld [tilespmem:$0x1FEA0];
	[tilespmem:v26+s21+$0x0] =	vst.idx.msk $0xffff, v62  }
0xc9: {  	v44 =	vmovc v57;
	v60 =	vshll.u32 v60, $0x7;
	s31 =	sor.u32 $0x10, s28;
	v26 =	vmov v55;
	v55 =	vor.u32 s29, v4;
	v3 =	vld.idx.msk [tilespmem:v28+s20+$0x0], $0xffff  }
0xca: {  	v5 =	vmovc v53;
	v12 =	vshll.u32 v58, $0x7;
	v59 =	vor.u32 s31, v4;
	v28 =	vmovc v54;
	v54 =	vshll.u32 v55, $0x7;
	[tilespmem:v16+s21+$0x0] =	vst.idx.msk $0xffff, v56;
	v16 =	vld [tilespmem:$0x1FFD0]  }
0xcb: {  	v58 =	vmovc v52;
	v57 =	vor.u32 s28, v4;
	v60 =	vor.u32 v17, v60;
	v56 =	vor.u32 v59, v54;
	v4 =	vld.idx.msk [tilespmem:v18+s20+$0x0], $0xffff  }
0xcc: {  	[tilespmem:v1+s21+$0x0] =	vst.idx.msk $0xffff, v0;
	v62 =	vor.u32 s28, v6;
	v53 =	vor.u32 v57, v54;
	v18 =	vshll.u32 v57, $0x7;
	v22 =	vmovc v13;
	v13 =	vld [tilespmem:$0x1FF30]  }
0xcd: {  	v2 =	vld.idx.msk [tilespmem:v2+s20+$0x0], $0xffff;
	[tilespmem:v48+s21+$0x0] =	vst.idx.msk $0xffff, v50;
	v48 =	vor.u32 v23, v12;
	v21 =	vmov v63;
	v63 =	vor.u32 s22, v14  }
0xce: {  	[tilespmem:$0x1FEB0] =	vst v58;
	v50 =	vor.u32 s23, v11;
	v1 =	vor.u32 v55, v18;
	v49 =	vld.idx.msk [tilespmem:v49+s20+$0x0], $0xffff;
	v0 =	vor.u32 v63, v20  }
0xcf: {  	v59 =	vshll.u32 v59, $0x7;
	v57 =	vor.u32 v62, v54;
	v58 =	vor.u32 v50, v31;
	v18 =	vld [tilespmem:$0x1FFE0];
	[tilespmem:v27+s21+$0x0] =	vst.idx.msk $0xffff, v3  }
0xd0: {  	v62 =	vshll.u32 v62, $0x7;
	v59 =	vor.u32 v55, v59;
	v56 =	vld.idx.msk [tilespmem:v56+s20+$0x0], $0xffff;
	[tilespmem:v60+s21+$0x0] =	vst.idx.msk $0xffff, v61;
	v60 =	vor.u32 s31, v6  }
0xd1: {  	[tilespmem:$0x1FEA0] =	vst v5;
	v3 =	vshll.u32 v63, $0x7;
	v12 =	vor.u32 s28, v13;
	v61 =	vld.idx.msk [tilespmem:v53+s20+$0x0], $0xffff;
	v63 =	vor.u32 v60, v54  }
0xd2: {  	v50 =	vshll.u32 v50, $0x7;
	[tilespmem:v19+s21+$0x0] =	vst.idx.msk $0xffff, v4;
	v5 =	vor.u32 v12, v54;
	v52 =	vshll.u32 v12, $0x7;
	v12 =	vld [tilespmem:$0x1FFC0]  }
0xd3: {  	v62 =	vor.u32 v55, v62;
	v3 =	vor.u32 v17, v3;
	[tilespmem:v46+s21+$0x0] =	vst.idx.msk $0xffff, v49;
	v0 =	vld.idx.msk [tilespmem:v0+s20+$0x0], $0xffff  }
0xd4: {  	v6 =	vor.u32 s22, v15;
	v4 =	vor.u32 v23, v50;
	v19 =	vor.u32 s28, v16;
	[tilespmem:v48+s21+$0x0] =	vst.idx.msk $0xffff, v2;
	v47 =	vld.idx.msk [tilespmem:v47+s20+$0x0], $0xffff  }
0xd5: {  	v46 =	vor.u32 s23, v9;
	v50 =	vshll.u32 v19, $0x7;
	v2 =	vor.u32 v6, v20;
	v8 =	vld.idx.msk [tilespmem:v58+s20+$0x0], $0xffff;
	[tilespmem:v59+s21+$0x0] =	vst.idx.msk $0xffff, v56  }
0xd6: {  	v27 =	vmovc v51;
	v51 =	vor.u32 v55, v52;
	v48 =	vor.u32 s28, v18;
	v49 =	vor.u32 v46, v31;
	v56 =	vld.idx.msk [tilespmem:v63+s20+$0x0], $0xffff  }
0xd7: {  	v60 =	vshll.u32 v60, $0x7;
	v58 =	vor.u32 v55, v50;
	v50 =	vor.u32 v48, v54;
	[tilespmem:v1+s21+$0x0] =	vst.idx.msk $0xffff, v61;
	v63 =	vld [tilespmem:$0x1FFA0]  }
0xd8: {  	v1 =	vor.u32 s31, v13;
	v61 =	vshll.u32 v48, $0x7;
	[tilespmem:v3+s21+$0x0] =	vst.idx.msk $0xffff, v0;
	v0 =	vor.u32 v55, v60  }
0xd9: {  	v52 =	vor.u32 s28, v12;
	v3 =	vshll.u32 v6, $0x7;
	v6 =	vld.idx.msk [tilespmem:v57+s20+$0x0], $0xffff;
	v57 =	vor.u32 v1, v54  }
0xda: {  	v48 =	vor.u32 v55, v61;
	[tilespmem:v45+s21+$0x0] =	vst.idx.msk $0xffff, v47;
	v2 =	vld.idx.msk [tilespmem:v2+s20+$0x0], $0xffff;
	v3 =	vor.u32 v17, v3  }
0xdb: {  	v7 =	vor.u32 v52, v54;
	v53 =	vshll.u32 v52, $0x7;
	[tilespmem:v4+s21+$0x0] =	vst.idx.msk $0xffff, v8;
	v32 =	vld.idx.msk [tilespmem:v32+s20+$0x0], $0xffff  }
0xdc: {  	v52 =	vor.u32 v55, v53;
	v53 =	vor.u32 v19, v54;
	v8 =	vld.idx.msk [tilespmem:v49+s20+$0x0], $0xffff;
	v59 =	vor.u32 s22, v63  }
0xdd: {  	v61 =	vshll.u32 v46, $0x7;
	v13 =	vor.u32 v59, v20;
	v20 =	vmovc v31;
	v31 =	vor.u32 s28, v10;
	v10 =	vld [tilespmem:$0x1FF60];
	[tilespmem:v0+s21+$0x0] =	vst.idx.msk $0xffff, v56  }
0xde: {  	v1 =	vshll.u32 v1, $0x7;
	v19 =	vmov v33;
	v33 =	vor.u32 v23, v61;
	s22 =	smov.u32 s23;
	s23 =	smov.u32 s31;
	[tilespmem:v62+s21+$0x0] =	vst.idx.msk $0xffff, v6;
	v56 =	vld.idx.msk [tilespmem:v57+s20+$0x0], $0xffff  }
0xdf: {  	v1 =	vor.u32 v55, v1;
	[tilespmem:v3+s21+$0x0] =	vst.idx.msk $0xffff, v2;
	v2 =	vor.u32 s23, v12;
	v12 =	vor.u32 s28, v9;
	v9 =	vld [tilespmem:$0x1FF70]  }
0xe0: {  	v62 =	vshll.u32 v59, $0x7;
	v49 =	vor.u32 v31, v54;
	v31 =	vshll.u32 v31, $0x7;
	v5 =	vld.idx.msk [tilespmem:v5+s20+$0x0], $0xffff  }
0xe1: {  	v4 =	vor.u32 v17, v62;
	v46 =	vor.u32 v55, v31;
	v31 =	vor.u32 s28, v11  }
0xe2: {  	v61 =	vld.idx.msk [tilespmem:v37+s20+$0x0], $0xffff;
	v6 =	vor.u32 v2, v54;
	v37 =	vor.u32 v12, v54;
	v60 =	vor.u32 s22, v10  }
0xe3: {  	[tilespmem:v30+s21+$0x0] =	vst.idx.msk $0xffff, v32;
	v62 =	vshll.u32 v12, $0x7;
	v47 =	vor.u32 v31, v54;
	v0 =	vor.u32 v60, v20  }
0xe4: {  	v11 =	vshll.u32 v31, $0x7;
	v3 =	vld.idx.msk [tilespmem:v13+s20+$0x0], $0xffff;
	v13 =	vor.u32 s28, v10;
	[tilespmem:v33+s21+$0x0] =	vst.idx.msk $0xffff, v8;
	v31 =	vmovc v54;
	v57 =	vor.u32 s22, v9  }
0xe5: {  	v12 =	vshll.u32 v13, $0x7;
	v33 =	vor.u32 v13, v31;
	v13 =	vor.u32 s28, v9;
	[tilespmem:v51+s21+$0x0] =	vst.idx.msk $0xffff, v5;
	v9 =	vld [tilespmem:$0x1FFB0]  }
0xe6: {  	v5 =	vld.idx.msk [tilespmem:v7+s20+$0x0], $0xffff  }
0xe7: {  	v17 =	vmovc v23;
	v8 =	vshll.u32 v60, $0x7;
	v7 =	vor.u32 v13, v31;
	v10 =	vshll.u32 v13, $0x7;
	v13 =	vld [tilespmem:$0x1FF40]  }
0xe8: {  	v8 =	vor.u32 v17, v8;
	v0 =	vld.idx.msk [tilespmem:v0+s20+$0x0], $0xffff  }
0xe9: {  	v23 =	vmov v55;
	v2 =	vshll.u32 v2, $0x7;
	[tilespmem:v1+s21+$0x0] =	vst.idx.msk $0xffff, v56;
	v1 =	vor.u32 v57, v20  }
0xea: {  	v2 =	vor.u32 v23, v2;
	v6 =	vld.idx.msk [tilespmem:v6+s20+$0x0], $0xffff;
	[tilespmem:v4+s21+$0x0] =	vst.idx.msk $0xffff, v3;
	v4 =	vor.u32 s23, v16  }
0xeb: {  	v56 =	vor.u32 v4, v31  }
0xec: {  	v30 =	vor.u32 v23, v62;
	[tilespmem:v39+s21+$0x0] =	vst.idx.msk $0xffff, v61;
	v3 =	vor.u32 v23, v12;
	v4 =	vshll.u32 v4, $0x7  }
0xed: {  	v32 =	vor.u32 s28, v9;
	v59 =	vor.u32 s28, v13;
	v12 =	vld.idx.msk [tilespmem:v40+s20+$0x0], $0xffff;
	v4 =	vor.u32 v23, v4;
	[tilespmem:v8+s21+$0x0] =	vst.idx.msk $0xffff, v0  }
0xee: {  	v39 =	vmovc v30;
	v8 =	vshll.u32 v32, $0x7;
	v0 =	vld.idx.msk [tilespmem:v1+s20+$0x0], $0xffff;
	v1 =	vshll.u32 v57, $0x7;
	v57 =	vor.u32 s22, v9  }
0xef: {  	v51 =	vor.u32 v23, v8;
	v8 =	vshll.u32 v59, $0x7;
	[tilespmem:v2+s21+$0x0] =	vst.idx.msk $0xffff, v6;
	v1 =	vor.u32 v17, v1  }
0xf0: {  	v30 =	vmovc v35;
	v2 =	vor.u32 v57, v20;
	v35 =	vor.u32 v23, v8;
	v6 =	vld.idx.msk [tilespmem:v56+s20+$0x0], $0xffff;
	v8 =	vor.u32 s23, v18  }
0xf1: {  	v45 =	vor.u32 v55, v11;
	v55 =	vor.u32 v23, v10;
	v10 =	vor.u32 v8, v31  }
0xf2: {  	v61 =	vld.idx.msk [tilespmem:v25+s20+$0x0], $0xffff;
	[tilespmem:v52+s21+$0x0] =	vst.idx.msk $0xffff, v5  }
0xf3: {  	v62 =	vor.u32 s28, v14;
	v54 =	vor.u32 v32, v31;
	v9 =	vld.idx.msk [tilespmem:v53+s20+$0x0], $0xffff;
	[tilespmem:v41+s21+$0x0] =	vst.idx.msk $0xffff, v12;
	v12 =	vor.u32 s28, v15  }
0xf4: {  	v14 =	vor.u32 s28, v63;
	v32 =	vmovc v38;
	v38 =	vor.u32 v59, v31;
	[tilespmem:v1+s21+$0x0] =	vst.idx.msk $0xffff, v0;
	v0 =	vshll.u32 v12, $0x7  }
0xf5: {  	v59 =	vld.idx.msk [tilespmem:v2+s20+$0x0], $0xffff;
	v53 =	vor.u32 v23, v0;
	v0 =	vshll.u32 v14, $0x7;
	[tilespmem:v4+s21+$0x0] =	vst.idx.msk $0xffff, v6  }
0xf6: {  	s24 =	sadd.s32 $0x2, s24;
	v40 =	vmov v33;
	v33 =	vmov v42;
	v42 =	vor.u32 v23, v0;
	v0 =	vld.idx.msk [tilespmem:v10+s20+$0x0], $0xffff  }
0xf7: {  	p0 =	slt.u32 s24, $0x1E;
	v10 =	vld [tilespmem:$0x1FF20]  }
.Ltmp0:
0xf8: {  	v25 =	vmovc v36;
	v36 =	vor.u32 v62, v31;
	v5 =	vshll.u32 v62, $0x7;
	v60 =	vor.u32 s22, v13;
	(pc) =	sbr.rel @p0 .LBB2_3-.Ltmp0, $4  }
0xf9: {  	v52 =	vor.u32 v14, v31;
	v63 =	vor.u32 v60, v20;
	v41 =	vmovc v3;
	v3 =	vor.u32 v23, v5  }
0xfa: {  	v16 =	vmovc v21;
	v18 =	vmov v22;
	v62 =	vld.idx.msk [tilespmem:v43+s20+$0x0], $0xffff;
	[tilespmem:v24+s21+$0x0] =	vst.idx.msk $0xffff, v61;
	v43 =	vmov v7;
	v1 =	vshll.u32 v57, $0x7  }
0xfb: {  	v24 =	vmovc v34;
	v34 =	vmovc v3;
	v56 =	vld.idx.msk [tilespmem:v29+s20+$0x0], $0xffff;
	v29 =	vmov v44;
	v61 =	vor.u32 v17, v1;
	v1 =	vshll.u32 v8, $0x7  }
0xfc: {  	s25 =	sadd.s32 $0x20, s25;
	s26 =	sadd.s32 $0x8, s26;
	[tilespmem:v58+s21+$0x0] =	vst.idx.msk $0xffff, v9;
	v9 =	vld [tilespmem:$0x1FF10];
	v57 =	vor.u32 v12, v31;
	v1 =	vor.u32 v23, v1;
	v58 =	vor.u32 s23, v10  }
0xfd: {  	_ =	sdelay $0x3  }
0xfe: {  	v2 =	vld.idx.msk [tilespmem:v50+s20+$0x0], $0xffff;
	_ =	sdelay $0x3  }
0xff: {  	v3 =	vor.u32 v58, v31;
	[tilespmem:v1+s21+$0x0] =	vst.idx.msk $0xffff, v0  }
0x100: {  	[tilespmem:v48+s21+$0x0] =	vst.idx.msk $0xffff, v2  }
0x101: {  	v44 =	vld [tilespmem:$0x1FF50];
	_ =	sdelay $0x2  }
0x102: {  	v1 =	vld.idx.msk [tilespmem:v3+s20+$0x0], $0xffff  }
0x103: {  	v0 =	vshll.u32 v58, $0x7;
	v3 =	vld.idx.msk [tilespmem:v49+s20+$0x0], $0xffff  }
0x104: {  	v0 =	vor.u32 v23, v0;
	v2 =	vor.u32 s23, v44  }
0x105: {  	v4 =	vor.u32 v2, v31;
	_ =	sdelay $0x2  }
0x106: {  	[tilespmem:v46+s21+$0x0] =	vst.idx.msk $0xffff, v3  }
0x107: {  	[tilespmem:v0+s21+$0x0] =	vst.idx.msk $0xffff, v1;
	v0 =	vshll.u32 v2, $0x7;
	v3 =	vld.idx.msk [tilespmem:v47+s20+$0x0], $0xffff  }
0x108: {  	v0 =	vor.u32 v23, v0;
	v1 =	vld.idx.msk [tilespmem:v4+s20+$0x0], $0xffff  }
0x109: {  	v2 =	vor.u32 s23, v9  }
0x10a: {  	v4 =	vor.u32 v2, v31;
	_ =	sdelay $0x1  }
0x10b: {  	[tilespmem:v45+s21+$0x0] =	vst.idx.msk $0xffff, v3  }
0x10c: {  	[tilespmem:v0+s21+$0x0] =	vst.idx.msk $0xffff, v1  }
0x10d: {  	v0 =	vshll.u32 v2, $0x7;
	v11 =	vld [tilespmem:$0x1FF60]  }
0x10e: {  	v1 =	vld.idx.msk [tilespmem:v4+s20+$0x0], $0xffff;
	v0 =	vor.u32 v23, v0;
	_ =	sdelay $0x3  }
0x10f: {  	v2 =	vor.u32 s23, v11  }
0x110: {  	v4 =	vld.idx.msk [tilespmem:v37+s20+$0x0], $0xffff;
	[tilespmem:v0+s21+$0x0] =	vst.idx.msk $0xffff, v1;
	v3 =	vor.u32 v2, v31  }
0x111: {  	v45 =	vld [tilespmem:$0x1FF70];
	_ =	sdelay $0x2  }
0x112: {  	v0 =	vshll.u32 v2, $0x7  }
0x113: {  	v0 =	vor.u32 v23, v0;
	v1 =	vld.idx.msk [tilespmem:v3+s20+$0x0], $0xffff  }
0x114: {  	[tilespmem:v39+s21+$0x0] =	vst.idx.msk $0xffff, v4;
	v2 =	vor.u32 s23, v45  }
0x115: {  	v4 =	vld.idx.msk [tilespmem:v40+s20+$0x0], $0xffff;
	v3 =	vor.u32 v2, v31;
	_ =	sdelay $0x2  }
0x116: {  	[tilespmem:v0+s21+$0x0] =	vst.idx.msk $0xffff, v1  }
0x117: {  	v0 =	vshll.u32 v2, $0x7;
	v39 =	vld [tilespmem:$0x1FFB0]  }
0x118: {  	v1 =	vld.idx.msk [tilespmem:v3+s20+$0x0], $0xffff;
	v0 =	vor.u32 v23, v0;
	[tilespmem:v41+s21+$0x0] =	vst.idx.msk $0xffff, v4  }
0x119: {  	v4 =	vld.idx.msk [tilespmem:v43+s20+$0x0], $0xffff;
	_ =	sdelay $0x2  }
0x11a: {  	[tilespmem:v26+s21+$0x0] =	vst.idx.msk $0xffff, v62;
	v2 =	vor.u32 s23, v39  }
0x11b: {  	v5 =	vld.idx.msk [tilespmem:v28+s20+$0x0], $0xffff;
	[tilespmem:v0+s21+$0x0] =	vst.idx.msk $0xffff, v1;
	v3 =	vor.u32 v2, v31  }
0x11c: {  	v13 =	vld [tilespmem:$0x1FF40];
	[tilespmem:v55+s21+$0x0] =	vst.idx.msk $0xffff, v4  }
0x11d: {  	[tilespmem:v61+s21+$0x0] =	vst.idx.msk $0xffff, v59;
	v4 =	vld.idx.msk [tilespmem:v54+s20+$0x0], $0xffff  }
0x11e: {  	v6 =	vshll.u32 v60, $0x7;
	v7 =	vld.idx.msk [tilespmem:v63+s20+$0x0], $0xffff  }
0x11f: {  	v6 =	vor.u32 v17, v6;
	v0 =	vshll.u32 v2, $0x7;
	v12 =	vld [tilespmem:$0x1FF80]  }
0x120: {  	v0 =	vor.u32 v23, v0;
	v1 =	vld.idx.msk [tilespmem:v3+s20+$0x0], $0xffff;
	_ =	sdelay $0x1  }
0x121: {  	[tilespmem:v27+s21+$0x0] =	vst.idx.msk $0xffff, v5  }
0x122: {  	v2 =	vor.u32 s23, v13;
	[tilespmem:v51+s21+$0x0] =	vst.idx.msk $0xffff, v4  }
0x123: {  	v3 =	vor.u32 v2, v31;
	v8 =	vor.u32 s22, v12;
	[tilespmem:v6+s21+$0x0] =	vst.idx.msk $0xffff, v7  }
0x124: {  	v5 =	vor.u32 v8, v20;
	[tilespmem:v0+s21+$0x0] =	vst.idx.msk $0xffff, v1  }
0x125: {  	v14 =	vld [tilespmem:$0x1FF90]  }
0x126: {  	v27 =	vmov v9;
	v9 =	vld.idx.msk [tilespmem:v32+s20+$0x0], $0xffff  }
0x127: {  	v4 =	vld.idx.msk [tilespmem:v38+s20+$0x0], $0xffff;
	v0 =	vshll.u32 v2, $0x7  }
0x128: {  	v6 =	vshll.u32 v8, $0x7;
	v2 =	vor.u32 s23, v12;
	v1 =	vld.idx.msk [tilespmem:v3+s20+$0x0], $0xffff;
	v0 =	vor.u32 v23, v0  }
0x129: {  	v6 =	vor.u32 v17, v6;
	v3 =	vor.u32 v2, v31;
	v5 =	vld.idx.msk [tilespmem:v5+s20+$0x0], $0xffff  }
0x12a: {  	v7 =	vor.u32 s22, v14  }
0x12b: {  	[tilespmem:v30+s21+$0x0] =	vst.idx.msk $0xffff, v9;
	v8 =	vor.u32 v7, v20  }
0x12c: {  	v9 =	vld.idx.msk [tilespmem:v25+s20+$0x0], $0xffff;
	[tilespmem:v35+s21+$0x0] =	vst.idx.msk $0xffff, v4  }
0x12d: {  	v4 =	vld.idx.msk [tilespmem:v36+s20+$0x0], $0xffff;
	[tilespmem:v0+s21+$0x0] =	vst.idx.msk $0xffff, v1  }
0x12e: {  	v0 =	vshll.u32 v2, $0x7;
	v1 =	vld.idx.msk [tilespmem:v3+s20+$0x0], $0xffff;
	[tilespmem:v6+s21+$0x0] =	vst.idx.msk $0xffff, v5  }
0x12f: {  	v0 =	vor.u32 v23, v0;
	v5 =	vshll.u32 v7, $0x7;
	v15 =	vld [tilespmem:$0x1FFA0]  }
0x130: {  	v5 =	vor.u32 v17, v5;
	v6 =	vld.idx.msk [tilespmem:v8+s20+$0x0], $0xffff  }
0x131: {  	[tilespmem:v24+s21+$0x0] =	vst.idx.msk $0xffff, v9  }
0x132: {  	[tilespmem:v34+s21+$0x0] =	vst.idx.msk $0xffff, v4  }
0x133: {  	[tilespmem:v16+s21+$0x0] =	vst.idx.msk $0xffff, v56  }
0x134: {  	[tilespmem:v0+s21+$0x0] =	vst.idx.msk $0xffff, v1  }
0x135: {  	v7 =	vor.u32 s22, v15;
	[tilespmem:v5+s21+$0x0] =	vst.idx.msk $0xffff, v6  }
0x136: {  	v8 =	vor.u32 v7, v20;
	v5 =	vshll.u32 v7, $0x7;
	v7 =	vld [tilespmem:$0x1FEA0];
	_ =	sdelay $0x1  }
0x137: {  	v2 =	vor.u32 s23, v14  }
0x138: {  	v3 =	vor.u32 v2, v31;
	v9 =	vld.idx.msk [tilespmem:v29+s20+$0x0], $0xffff;
	_ =	sdelay $0x4  }
0x139: {  	v0 =	vshll.u32 v2, $0x7;
	v1 =	vld.idx.msk [tilespmem:v3+s20+$0x0], $0xffff;
	[tilespmem:v7+s21+$0x0] =	vst.idx.msk $0xffff, v9  }
0x13a: {  	v0 =	vor.u32 v23, v0;
	v2 =	vor.u32 s23, v15;
	v7 =	vld [tilespmem:$0x1FEB0]  }
0x13b: {  	v4 =	vld.idx.msk [tilespmem:v57+s20+$0x0], $0xffff;
	v3 =	vor.u32 v2, v31;
	_ =	sdelay $0x2  }
0x13c: {  	v10 =	vld.idx.msk [tilespmem:v18+s20+$0x0], $0xffff  }
0x13d: {  	v5 =	vor.u32 v17, v5;
	v6 =	vld.idx.msk [tilespmem:v8+s20+$0x0], $0xffff;
	[tilespmem:v0+s21+$0x0] =	vst.idx.msk $0xffff, v1;
	v0 =	vshll.u32 v2, $0x7  }
0x13e: {  	[tilespmem:v53+s21+$0x0] =	vst.idx.msk $0xffff, v4;
	v1 =	vld.idx.msk [tilespmem:v3+s20+$0x0], $0xffff;
	v0 =	vor.u32 v23, v0  }
0x13f: {  	v2 =	vld.idx.msk [tilespmem:v52+s20+$0x0], $0xffff  }
0x140: {  	v7 =	vld.idx.msk [tilespmem:v7+s20+$0x0], $0xffff  }
0x141: {  	[tilespmem:v19+s21+$0x0] =	vst.idx.msk $0xffff, v10  }
0x142: {  	[tilespmem:v5+s21+$0x0] =	vst.idx.msk $0xffff, v6  }
0x143: {  	[tilespmem:v0+s21+$0x0] =	vst.idx.msk $0xffff, v1  }
0x144: {  	s31 =	sshll.u32 s19, $0x12;
	s19 =	sadd.s32 $0x1, s19;
	[tilespmem:v42+s21+$0x0] =	vst.idx.msk $0xffff, v2  }
0x145: {  	p0 =	sne.s32 s19, $0x32;
	[tilespmem:v33+s21+$0x0] =	vst.idx.msk $0xffff, v7  }
.Ltmp1:
0x146: {  	v2 =	vld [tilespmem:$0x1FFF0];
	(pc) =	sbr.rel @p0 .LBB2_2-.Ltmp1, $4  }
0x147: {  	s20 =	sor.u32 s5, s31;
	v22 =	vld [tilespmem:$0x1FF30]  }
0x148: {  	s20 =	sshrl.u32 s20, $0x3;
	v3 =	vld [tilespmem:$0x1FFC0]  }
0x149: {  	v37 =	vlaneseq.u32;
	v8 =	vmov v45;
	v9 =	vmov v13;
	s20 =	sadd.s32 s3, s20;
	v4 =	vld [tilespmem:$0x1FFD0]  }
0x14a: {  	v13 =	vmovc v14;
	v14 =	vmovc v15;
	v6 =	vmov v44;
	v7 =	vmov v11;
	v11 =	vmov v39;
	[hbm4b:s20+s9] =	stream.strided.scatter [tilespmem:s21], [sflag:$0x2], $0x2000, s10, s9, $0x38;
	v5 =	vld [tilespmem:$0x1FFE0]  }
0x14b: {  	s18 =	sadd.s32 $0x1, s18  }
0x14c: {  	_ =	swait.ge [sflag:s17], $0x2000;
	p0 =	sne.s32 s18, s8  }
.Ltmp2:
0x14d: {  	[sflag:s17] =	ssyncset.done $0x0;
	(pc) =	sbr.rel @p0 .LBB2_1-.Ltmp2, $4  }
0x14e: {  	[sflag:s17] =	ssyncadd.s32 $0xFFFFE000  }
0x14f: {  	_ =	swait.ge [sflag:s17], $0x2000  }
0x150: {  	[sflag:s17] =	ssyncset.done $0x0  }
0x151: {  	[sflag:s17] =	ssyncadd.s32 $0xFFFFE000  }
0x152: {  	_ =	sfence.sel $0x180000  }
0x153: {  	[bflag:$0x0] =	sbarrier.arrive $0xFFFF  }
0x154: {  	p0 =	sne.s32 s1, $0x0;
	_ =	strace $0x90000047  }
0x155: {  	s0 =	sadd.s32 @!p0 $0x100000, s2;
	[bflag:$0x2] =	sbarrier.arrive $0xFFFF  }
0x156: {  	[sflag:s0] =	ssyncadd.tile.s32 @!p0 $0x1;
	_ =	shalt  }
.Lfunc_end2:
_tile_overlayer_lowered:
.L_overlay_start_2:
0x157: {  	(tag) =	ssettag $0x2  }
0x158: {  	s0 =	rddreg [dreg:$0x0];
	s2 =	stileid.u32  }
0x159: {  	s1 =	rddreg [dreg:$0x1];
	p0 =	sne.s32 s2, $0x0  }
0x15a: {  	s3 =	rddreg [dreg:$0x2];
	[bflag:$0x3] =	sbarrier.arrive $0xFFFF;
	s2 =	simm.s32 @!p0 $0x1C03  }
0x15b: {  	[timem:s3], [sflag:s2] =	dma.local @!p0 [hbm:s0], s1  }
0x15c: {  	s0 =	simm.s32 @!p0 $0x3  }
0x15d: {  	_ =	swait.ge @!p0 [sflag:s0], s1  }
0x15e: {  	s1 =	ssub.s32 @!p0 $0x0, s1;
	[sflag:s0] =	ssyncset.done @!p0 $0x0  }
0x15f: {  	[sflag:s0] =	ssyncadd.s32 @!p0 s1  }
0x160: {  	[bflag:$0x3] =	sbarrier.arrive $0xFFFF  }
0x161: {  	_ =	shalt  }

</sc_bundles>
